<compile_context>
chip_gen: v7x
topology: tpu7x:2x2x1
jax: 0.10.2.dev20260603
libtpu: 0.0.44.dev20260713+nightly
codegen_flags: <defaults>
</compile_context>

<pallas_src>
import functools

import jax
import jax.numpy as jnp
from jax import lax
from jax.experimental import pallas as pl
from jax.experimental.pallas import tpu as pltpu
from jax.experimental.pallas import tpu_sc as plsc

_NC = 2
_NS = 16
_NW = _NC * _NS
_L = 16
_B = 128
_N = 128
_M = 128
_BPW = _B // _NW
_CH = _M // _L


def _lane_rot(v, idx):
    return jnp.take_along_axis(v, idx, axis=0, mode="promise_in_bounds")


def _dp_body(img_hbm, out_hbm, theta_v, out_v, sems):
    wid = lax.axis_index("s") * _NC + lax.axis_index("c")
    slab = _N * _M
    copies = [
        pltpu.async_copy(
            img_hbm.at[pl.ds((wid * _BPW + b) * slab, slab)],
            theta_v.at[pl.ds(b * slab, slab)],
            sems.at[b],
        )
        for b in range(_BPW)
    ]

    iota = lax.iota(jnp.int32, _L)
    inf_v = jnp.full((_L,), jnp.inf, dtype=jnp.float32)
    rotr_idx = jnp.bitwise_and(iota + (_L - 1), _L - 1)
    rotl_idx = jnp.bitwise_and(iota + 1, _L - 1)
    lane0 = iota == 0
    lane15 = iota == (_L - 1)
    all_lanes = iota >= 0
    offs = [iota * _CH + j for j in range(_CH)]

    for b in range(_BPW):
        copies[b].wait()

        def load_row(i):
            row = theta_v.at[pl.ds((b * _N + i) * _M, _M)]
            return [
                jnp.abs(plsc.load_gather(row, [offs[j]], mask=all_lanes))
                for j in range(_CH)
            ]

        def row_step(i, a):
            th = load_row(i)
            left0 = jnp.where(lane0, inf_v, _lane_rot(a[_CH - 1], rotr_idx))
            right7 = jnp.where(lane15, inf_v, _lane_rot(a[0], rotl_idx))
            new = []
            for j in range(_CH):
                lt = a[j - 1] if j > 0 else left0
                rt = a[j + 1] if j < _CH - 1 else right7
                new.append(th[j] + jnp.minimum(jnp.minimum(lt, a[j]), rt))
            return tuple(new)

        def row_pair(k, a):
            return row_step(2 * k + 2, row_step(2 * k + 1, a))

        a_fin = lax.fori_loop(0, (_N - 2) // 2, row_pair, tuple(load_row(0)))
        a_fin = row_step(_N - 1, a_fin)

        acc = a_fin[0]
        for j in range(1, _CH):
            acc = jnp.minimum(acc, a_fin[j])
        mn = jnp.full((_L,), jnp.min(acc), dtype=jnp.float32)
        plsc.store_scatter(out_v, [jnp.full((_L,), b, jnp.int32)], mn, mask=lane0)

    pltpu.sync_copy(out_v, out_hbm.at[wid])


@jax.jit
def kernel(images):
    imgs = images.reshape(_B * _N * _M)
    run = functools.partial(
        pl.kernel,
        out_type=jax.ShapeDtypeStruct((_NW, _BPW), jnp.float32),
        mesh=plsc.VectorSubcoreMesh(core_axis_name="c", subcore_axis_name="s"),
        scratch_types=[
            pltpu.VMEM((_BPW * _N * _M,), jnp.float32),
            pltpu.VMEM((_BPW,), jnp.float32),
            pltpu.SemaphoreType.DMA((_BPW,)),
        ],
        compiler_params=pltpu.CompilerParams(
            needs_layout_passes=False,
            disable_bounds_checks=True,
            disable_semaphore_checks=True,
        ),
    )(_dp_body)
    out = run(imgs)
    return out.reshape(_B)

# --- scband reference (transcript-rebuilt; emitter-appended) ---
"""Pipeline reference for scband-dplayer-37048387896036 (READ-ONLY COPY).

The authoritative reference and input builder live on the scoring server;
editing this copy changes nothing except your own understanding.
"""

import jax, jax.numpy as jnp
import numpy as np

# Reconstruction of DPLayer semantics:
# - GraphLayer with edge_fn='abs', make_pos=True computes per-node edge weights theta = |images|
#   (null = +inf since max_op=False -> min/shortest-path DP).
# - idx_adjacency(max_i, max_j) builds the top2bottom grid DAG: node (i,j) receives edges from
#   (i-1, j-1), (i-1, j), (i-1, j+1)  (seam-carving style top-to-bottom shortest path).
# - DPFunction runs the Bellman recursion:
#     V[0, j]  = theta[0, j]
#     V[i, j]  = theta[i, j] + min(V[i-1, j-1], V[i-1, j], V[i-1, j+1])   (out-of-grid -> +inf null)
#   and returns fake_lengths = min_j V[max_i-1, j] per batch element.

def _dp_single(th):
    INF = jnp.asarray(jnp.inf, dtype=th.dtype)
    def step(prev, row):
        left = jnp.concatenate([jnp.full((1,), INF, dtype=th.dtype), prev[:-1]])
        right = jnp.concatenate([prev[1:], jnp.full((1,), INF, dtype=th.dtype)])
        cur = row + jnp.minimum(jnp.minimum(left, prev), right)
        return cur, None
    vT, _ = jax.lax.scan(step, th[0], th[1:])
    return jnp.min(vT)


def setup_inputs(seed: int = 0) -> dict:
    key = jax.random.key(seed)
    images = jax.random.normal(key, (128, 128, 128), dtype=jnp.float32)
    return {"images": images}


def reference(images):
    # GraphLayer: edge_fn='abs' with make_pos=True -> positive edge weights
    thetas = jnp.abs(images)
    # DPFunction: batched top2bottom shortest-path DP
    fake_lengths = jax.vmap(_dp_single)(thetas)
    return fake_lengths

if __name__ == "__main__":
    import jax
    _d = setup_inputs()
    print(jax.jit(kernel)(*tuple(_d.values())))

</pallas_src>

<mosaic_0001>
#map = affine_map<(d0, d1) -> (0)>
#map1 = affine_map<(d0, d1) -> (0, 0)>
module attributes {stable_mosaic.version = 14 : i64} {
  func.func @_dp_body(%arg0: i32, %arg1: i32, %arg2: memref<2097152xf32, #tpu.memory_space<hbm>>, %arg3: memref<32x4xf32, #tpu.memory_space<hbm>>, %arg4: memref<65536xf32, #tpu.memory_space<vmem>>, %arg5: memref<4xf32, #tpu.memory_space<vmem>>, %arg6: memref<4x!tpu.dma_semaphore, #tpu.memory_space<semaphore_mem>>) attributes {dimension_semantics = [#tpu.dimension_semantics<core_parallel>, #tpu.dimension_semantics<subcore_parallel>], iteration_bounds = array<i64: 2, 16>, scalar_prefetch = 0 : i64, scratch_operands = 3 : i64, tpu.core_type = #tpu.core_type<sc_vector_subcore>, window_params = [{transform_indices = #map}, {transform_indices = #map1}]} {
    %mul3A = arith.constant 2 : i32
    %mul3A_0 = arith.muli %arg1, %mul3A : i32
    %add3A = arith.addi %mul3A_0, %arg0 : i32
    %mul3A_1 = arith.constant 4 : i32
    %mul3A_2 = arith.muli %add3A, %mul3A_1 : i32
    %add3A_3 = arith.constant 0 : i32
    %add3A_4 = arith.addi %mul3A_2, %add3A_3 : i32
    %mul3A_5 = arith.constant 16384 : i32
    %mul3A_6 = arith.muli %add3A_4, %mul3A_5 : i32
    %dma_start3A = arith.constant 0 : i32
    %dma_start3A_7 = arith.constant 0 : i32
    %dma_start3A_8 = tpu.memref_slice %arg4[%dma_start3A_7] : memref<65536xf32, #tpu.memory_space<vmem>> -> memref<16384xf32, #tpu.memory_space<vmem>>
    %dma_start3A_9 = tpu.memref_slice %arg2[%mul3A_6] : memref<2097152xf32, #tpu.memory_space<hbm>> -> memref<16384xf32, #tpu.memory_space<hbm>>
    %dma_start3A_10 = tpu.memref_slice %arg6[%dma_start3A] : memref<4x!tpu.dma_semaphore, #tpu.memory_space<semaphore_mem>> -> memref<1x!tpu.dma_semaphore, #tpu.memory_space<semaphore_mem>>
    %dma_start3A_11 = tpu.memref_squeeze %dma_start3A_10 : memref<1x!tpu.dma_semaphore, #tpu.memory_space<semaphore_mem>> -> memref<!tpu.dma_semaphore, #tpu.memory_space<semaphore_mem>>
    %dma_start3A_12 = arith.constant 0 : i32
    %dma_start3A_13 = tpu.memref_slice %arg4[%dma_start3A_12] : memref<65536xf32, #tpu.memory_space<vmem>> -> memref<16384xf32, #tpu.memory_space<vmem>>
    %dma_start3A_14 = tpu.memref_slice %arg2[%mul3A_6] : memref<2097152xf32, #tpu.memory_space<hbm>> -> memref<16384xf32, #tpu.memory_space<hbm>>
    tpu.enqueue_dma source(%dma_start3A_14 : memref<16384xf32, #tpu.memory_space<hbm>>) target(%dma_start3A_13 : memref<16384xf32, #tpu.memory_space<vmem>>) target_semaphore(%dma_start3A_11 : memref<!tpu.dma_semaphore, #tpu.memory_space<semaphore_mem>>)
    %mul3A_15 = arith.constant 4 : i32
    %mul3A_16 = arith.muli %add3A, %mul3A_15 : i32
    %add3A_17 = arith.constant 1 : i32
    %add3A_18 = arith.addi %mul3A_16, %add3A_17 : i32
    %mul3A_19 = arith.constant 16384 : i32
    %mul3A_20 = arith.muli %add3A_18, %mul3A_19 : i32
    %dma_start3A_21 = arith.constant 1 : i32
    %dma_start3A_22 = arith.constant 16384 : i32
    %dma_start3A_23 = tpu.memref_slice %arg4[%dma_start3A_22] : memref<65536xf32, #tpu.memory_space<vmem>> -> memref<16384xf32, #tpu.memory_space<vmem>>
    %dma_start3A_24 = tpu.memref_slice %arg2[%mul3A_20] : memref<2097152xf32, #tpu.memory_space<hbm>> -> memref<16384xf32, #tpu.memory_space<hbm>>
    %dma_start3A_25 = tpu.memref_slice %arg6[%dma_start3A_21] : memref<4x!tpu.dma_semaphore, #tpu.memory_space<semaphore_mem>> -> memref<1x!tpu.dma_semaphore, #tpu.memory_space<semaphore_mem>>
    %dma_start3A_26 = tpu.memref_squeeze %dma_start3A_25 : memref<1x!tpu.dma_semaphore, #tpu.memory_space<semaphore_mem>> -> memref<!tpu.dma_semaphore, #tpu.memory_space<semaphore_mem>>
    %dma_start3A_27 = arith.constant 16384 : i32
    %dma_start3A_28 = tpu.memref_slice %arg4[%dma_start3A_27] : memref<65536xf32, #tpu.memory_space<vmem>> -> memref<16384xf32, #tpu.memory_space<vmem>>
    %dma_start3A_29 = tpu.memref_slice %arg2[%mul3A_20] : memref<2097152xf32, #tpu.memory_space<hbm>> -> memref<16384xf32, #tpu.memory_space<hbm>>
    tpu.enqueue_dma source(%dma_start3A_29 : memref<16384xf32, #tpu.memory_space<hbm>>) target(%dma_start3A_28 : memref<16384xf32, #tpu.memory_space<vmem>>) target_semaphore(%dma_start3A_26 : memref<!tpu.dma_semaphore, #tpu.memory_space<semaphore_mem>>)
    %mul3A_30 = arith.constant 4 : i32
    %mul3A_31 = arith.muli %add3A, %mul3A_30 : i32
    %add3A_32 = arith.constant 2 : i32
    %add3A_33 = arith.addi %mul3A_31, %add3A_32 : i32
    %mul3A_34 = arith.constant 16384 : i32
    %mul3A_35 = arith.muli %add3A_33, %mul3A_34 : i32
    %dma_start3A_36 = arith.constant 2 : i32
    %dma_start3A_37 = arith.constant 32768 : i32
    %dma_start3A_38 = tpu.memref_slice %arg4[%dma_start3A_37] : memref<65536xf32, #tpu.memory_space<vmem>> -> memref<16384xf32, #tpu.memory_space<vmem>>
    %dma_start3A_39 = tpu.memref_slice %arg2[%mul3A_35] : memref<2097152xf32, #tpu.memory_space<hbm>> -> memref<16384xf32, #tpu.memory_space<hbm>>
    %dma_start3A_40 = tpu.memref_slice %arg6[%dma_start3A_36] : memref<4x!tpu.dma_semaphore, #tpu.memory_space<semaphore_mem>> -> memref<1x!tpu.dma_semaphore, #tpu.memory_space<semaphore_mem>>
    %dma_start3A_41 = tpu.memref_squeeze %dma_start3A_40 : memref<1x!tpu.dma_semaphore, #tpu.memory_space<semaphore_mem>> -> memref<!tpu.dma_semaphore, #tpu.memory_space<semaphore_mem>>
    %dma_start3A_42 = arith.constant 32768 : i32
    %dma_start3A_43 = tpu.memref_slice %arg4[%dma_start3A_42] : memref<65536xf32, #tpu.memory_space<vmem>> -> memref<16384xf32, #tpu.memory_space<vmem>>
    %dma_start3A_44 = tpu.memref_slice %arg2[%mul3A_35] : memref<2097152xf32, #tpu.memory_space<hbm>> -> memref<16384xf32, #tpu.memory_space<hbm>>
    tpu.enqueue_dma source(%dma_start3A_44 : memref<16384xf32, #tpu.memory_space<hbm>>) target(%dma_start3A_43 : memref<16384xf32, #tpu.memory_space<vmem>>) target_semaphore(%dma_start3A_41 : memref<!tpu.dma_semaphore, #tpu.memory_space<semaphore_mem>>)
    %mul3A_45 = arith.constant 4 : i32
    %mul3A_46 = arith.muli %add3A, %mul3A_45 : i32
    %add3A_47 = arith.constant 3 : i32
    %add3A_48 = arith.addi %mul3A_46, %add3A_47 : i32
    %mul3A_49 = arith.constant 16384 : i32
    %mul3A_50 = arith.muli %add3A_48, %mul3A_49 : i32
    %dma_start3A_51 = arith.constant 3 : i32
    %dma_start3A_52 = arith.constant 49152 : i32
    %dma_start3A_53 = tpu.memref_slice %arg4[%dma_start3A_52] : memref<65536xf32, #tpu.memory_space<vmem>> -> memref<16384xf32, #tpu.memory_space<vmem>>
    %dma_start3A_54 = tpu.memref_slice %arg2[%mul3A_50] : memref<2097152xf32, #tpu.memory_space<hbm>> -> memref<16384xf32, #tpu.memory_space<hbm>>
    %dma_start3A_55 = tpu.memref_slice %arg6[%dma_start3A_51] : memref<4x!tpu.dma_semaphore, #tpu.memory_space<semaphore_mem>> -> memref<1x!tpu.dma_semaphore, #tpu.memory_space<semaphore_mem>>
    %dma_start3A_56 = tpu.memref_squeeze %dma_start3A_55 : memref<1x!tpu.dma_semaphore, #tpu.memory_space<semaphore_mem>> -> memref<!tpu.dma_semaphore, #tpu.memory_space<semaphore_mem>>
    %dma_start3A_57 = arith.constant 49152 : i32
    %dma_start3A_58 = tpu.memref_slice %arg4[%dma_start3A_57] : memref<65536xf32, #tpu.memory_space<vmem>> -> memref<16384xf32, #tpu.memory_space<vmem>>
    %dma_start3A_59 = tpu.memref_slice %arg2[%mul3A_50] : memref<2097152xf32, #tpu.memory_space<hbm>> -> memref<16384xf32, #tpu.memory_space<hbm>>
    tpu.enqueue_dma source(%dma_start3A_59 : memref<16384xf32, #tpu.memory_space<hbm>>) target(%dma_start3A_58 : memref<16384xf32, #tpu.memory_space<vmem>>) target_semaphore(%dma_start3A_56 : memref<!tpu.dma_semaphore, #tpu.memory_space<semaphore_mem>>)
    %iota3A = tpu.iota {dimensions = array<i32: 0>} : vector<16xi32>
    %broadcast_in_dim3A = arith.constant 0x7F800000 : f32
    %broadcast_in_dim3A_60 = vector.broadcast %broadcast_in_dim3A : f32 to vector<16xf32>
    %add3A_61 = arith.constant 15 : i32
    %add3A_62 = vector.broadcast %add3A_61 : i32 to vector<16xi32>
    %add3A_63 = arith.addi %iota3A, %add3A_62 : vector<16xi32>
    %and3A = arith.constant 15 : i32
    %and3A_64 = vector.broadcast %and3A : i32 to vector<16xi32>
    %and3A_65 = arith.andi %add3A_63, %and3A_64 : vector<16xi32>
    %add3A_66 = arith.constant 1 : i32
    %add3A_67 = vector.broadcast %add3A_66 : i32 to vector<16xi32>
    %add3A_68 = arith.addi %iota3A, %add3A_67 : vector<16xi32>
    %and3A_69 = arith.constant 15 : i32
    %and3A_70 = vector.broadcast %and3A_69 : i32 to vector<16xi32>
    %and3A_71 = arith.andi %add3A_68, %and3A_70 : vector<16xi32>
    %eq3A = arith.constant 0 : i32
    %eq3A_72 = vector.broadcast %eq3A : i32 to vector<16xi32>
    %eq3A_73 = arith.cmpi eq, %iota3A, %eq3A_72 : vector<16xi32>
    %eq3A_74 = arith.constant 15 : i32
    %eq3A_75 = vector.broadcast %eq3A_74 : i32 to vector<16xi32>
    %eq3A_76 = arith.cmpi eq, %iota3A, %eq3A_75 : vector<16xi32>
    %ge3A = arith.constant 0 : i32
    %ge3A_77 = vector.broadcast %ge3A : i32 to vector<16xi32>
    %ge3A_78 = arith.cmpi sge, %iota3A, %ge3A_77 : vector<16xi32>
    %mul3A_79 = arith.constant 8 : i32
    %mul3A_80 = vector.broadcast %mul3A_79 : i32 to vector<16xi32>
    %mul3A_81 = arith.muli %iota3A, %mul3A_80 : vector<16xi32>
    %add3A_82 = arith.constant 0 : i32
    %add3A_83 = vector.broadcast %add3A_82 : i32 to vector<16xi32>
    %add3A_84 = arith.addi %mul3A_81, %add3A_83 : vector<16xi32>
    %mul3A_85 = arith.constant 8 : i32
    %mul3A_86 = vector.broadcast %mul3A_85 : i32 to vector<16xi32>
    %mul3A_87 = arith.muli %iota3A, %mul3A_86 : vector<16xi32>
    %add3A_88 = arith.constant 1 : i32
    %add3A_89 = vector.broadcast %add3A_88 : i32 to vector<16xi32>
    %add3A_90 = arith.addi %mul3A_87, %add3A_89 : vector<16xi32>
    %mul3A_91 = arith.constant 8 : i32
    %mul3A_92 = vector.broadcast %mul3A_91 : i32 to vector<16xi32>
    %mul3A_93 = arith.muli %iota3A, %mul3A_92 : vector<16xi32>
    %add3A_94 = arith.constant 2 : i32
    %add3A_95 = vector.broadcast %add3A_94 : i32 to vector<16xi32>
    %add3A_96 = arith.addi %mul3A_93, %add3A_95 : vector<16xi32>
    %mul3A_97 = arith.constant 8 : i32
    %mul3A_98 = vector.broadcast %mul3A_97 : i32 to vector<16xi32>
    %mul3A_99 = arith.muli %iota3A, %mul3A_98 : vector<16xi32>
    %add3A_100 = arith.constant 3 : i32
    %add3A_101 = vector.broadcast %add3A_100 : i32 to vector<16xi32>
    %add3A_102 = arith.addi %mul3A_99, %add3A_101 : vector<16xi32>
    %mul3A_103 = arith.constant 8 : i32
    %mul3A_104 = vector.broadcast %mul3A_103 : i32 to vector<16xi32>
    %mul3A_105 = arith.muli %iota3A, %mul3A_104 : vector<16xi32>
    %add3A_106 = arith.constant 4 : i32
    %add3A_107 = vector.broadcast %add3A_106 : i32 to vector<16xi32>
    %add3A_108 = arith.addi %mul3A_105, %add3A_107 : vector<16xi32>
    %mul3A_109 = arith.constant 8 : i32
    %mul3A_110 = vector.broadcast %mul3A_109 : i32 to vector<16xi32>
    %mul3A_111 = arith.muli %iota3A, %mul3A_110 : vector<16xi32>
    %add3A_112 = arith.constant 5 : i32
    %add3A_113 = vector.broadcast %add3A_112 : i32 to vector<16xi32>
    %add3A_114 = arith.addi %mul3A_111, %add3A_113 : vector<16xi32>
    %mul3A_115 = arith.constant 8 : i32
    %mul3A_116 = vector.broadcast %mul3A_115 : i32 to vector<16xi32>
    %mul3A_117 = arith.muli %iota3A, %mul3A_116 : vector<16xi32>
    %add3A_118 = arith.constant 6 : i32
    %add3A_119 = vector.broadcast %add3A_118 : i32 to vector<16xi32>
    %add3A_120 = arith.addi %mul3A_117, %add3A_119 : vector<16xi32>
    %mul3A_121 = arith.constant 8 : i32
    %mul3A_122 = vector.broadcast %mul3A_121 : i32 to vector<16xi32>
    %mul3A_123 = arith.muli %iota3A, %mul3A_122 : vector<16xi32>
    %add3A_124 = arith.constant 7 : i32
    %add3A_125 = vector.broadcast %add3A_124 : i32 to vector<16xi32>
    %add3A_126 = arith.addi %mul3A_123, %add3A_125 : vector<16xi32>
    %dma_wait3A = arith.constant 0 : i32
    %dma_wait3A_127 = arith.constant 0 : i32
    %dma_wait3A_128 = tpu.memref_slice %arg4[%dma_wait3A_127] : memref<65536xf32, #tpu.memory_space<vmem>> -> memref<16384xf32, #tpu.memory_space<vmem>>
    %dma_wait3A_129 = tpu.memref_slice %arg2[%mul3A_6] : memref<2097152xf32, #tpu.memory_space<hbm>> -> memref<16384xf32, #tpu.memory_space<hbm>>
    %dma_wait3A_130 = tpu.memref_slice %arg6[%dma_wait3A] : memref<4x!tpu.dma_semaphore, #tpu.memory_space<semaphore_mem>> -> memref<1x!tpu.dma_semaphore, #tpu.memory_space<semaphore_mem>>
    %dma_wait3A_131 = tpu.memref_squeeze %dma_wait3A_130 : memref<1x!tpu.dma_semaphore, #tpu.memory_space<semaphore_mem>> -> memref<!tpu.dma_semaphore, #tpu.memory_space<semaphore_mem>>
    %dma_wait3A_132 = arith.constant 0 : i32
    %dma_wait3A_133 = tpu.memref_slice %arg4[%dma_wait3A_132] : memref<65536xf32, #tpu.memory_space<vmem>> -> memref<16384xf32, #tpu.memory_space<vmem>>
    %dma_wait3A_134 = tpu.memref_slice %arg2[%mul3A_6] : memref<2097152xf32, #tpu.memory_space<hbm>> -> memref<16384xf32, #tpu.memory_space<hbm>>
    tpu.wait_dma2 semaphore(%dma_wait3A_131 : memref<!tpu.dma_semaphore, #tpu.memory_space<semaphore_mem>>) src(%dma_wait3A_134 : memref<16384xf32, #tpu.memory_space<hbm>>) dst(%dma_wait3A_133 : memref<16384xf32, #tpu.memory_space<vmem>>)
    %gather3A = arith.constant 0 : i32
    %gather3A_135 = tpu.memref_slice %arg4[%gather3A] : memref<65536xf32, #tpu.memory_space<vmem>> -> memref<128xf32, #tpu.memory_space<vmem>>
    %gather3A_136 = tpu.vector_load_idx %gather3A_135[%add3A_84] masked %ge3A_78 : memref<128xf32, #tpu.memory_space<vmem>>[vector<16xi32>], vector<16xf32>, vector<16xi1>
    %abs3A = math.absf %gather3A_136 : vector<16xf32>
    %gather3A_137 = arith.constant 0 : i32
    %gather3A_138 = tpu.memref_slice %arg4[%gather3A_137] : memref<65536xf32, #tpu.memory_space<vmem>> -> memref<128xf32, #tpu.memory_space<vmem>>
    %gather3A_139 = tpu.vector_load_idx %gather3A_138[%add3A_90] masked %ge3A_78 : memref<128xf32, #tpu.memory_space<vmem>>[vector<16xi32>], vector<16xf32>, vector<16xi1>
    %abs3A_140 = math.absf %gather3A_139 : vector<16xf32>
    %gather3A_141 = arith.constant 0 : i32
    %gather3A_142 = tpu.memref_slice %arg4[%gather3A_141] : memref<65536xf32, #tpu.memory_space<vmem>> -> memref<128xf32, #tpu.memory_space<vmem>>
    %gather3A_143 = tpu.vector_load_idx %gather3A_142[%add3A_96] masked %ge3A_78 : memref<128xf32, #tpu.memory_space<vmem>>[vector<16xi32>], vector<16xf32>, vector<16xi1>
    %abs3A_144 = math.absf %gather3A_143 : vector<16xf32>
    %gather3A_145 = arith.constant 0 : i32
    %gather3A_146 = tpu.memref_slice %arg4[%gather3A_145] : memref<65536xf32, #tpu.memory_space<vmem>> -> memref<128xf32, #tpu.memory_space<vmem>>
    %gather3A_147 = tpu.vector_load_idx %gather3A_146[%add3A_102] masked %ge3A_78 : memref<128xf32, #tpu.memory_space<vmem>>[vector<16xi32>], vector<16xf32>, vector<16xi1>
    %abs3A_148 = math.absf %gather3A_147 : vector<16xf32>
    %gather3A_149 = arith.constant 0 : i32
    %gather3A_150 = tpu.memref_slice %arg4[%gather3A_149] : memref<65536xf32, #tpu.memory_space<vmem>> -> memref<128xf32, #tpu.memory_space<vmem>>
    %gather3A_151 = tpu.vector_load_idx %gather3A_150[%add3A_108] masked %ge3A_78 : memref<128xf32, #tpu.memory_space<vmem>>[vector<16xi32>], vector<16xf32>, vector<16xi1>
    %abs3A_152 = math.absf %gather3A_151 : vector<16xf32>
    %gather3A_153 = arith.constant 0 : i32
    %gather3A_154 = tpu.memref_slice %arg4[%gather3A_153] : memref<65536xf32, #tpu.memory_space<vmem>> -> memref<128xf32, #tpu.memory_space<vmem>>
    %gather3A_155 = tpu.vector_load_idx %gather3A_154[%add3A_114] masked %ge3A_78 : memref<128xf32, #tpu.memory_space<vmem>>[vector<16xi32>], vector<16xf32>, vector<16xi1>
    %abs3A_156 = math.absf %gather3A_155 : vector<16xf32>
    %gather3A_157 = arith.constant 0 : i32
    %gather3A_158 = tpu.memref_slice %arg4[%gather3A_157] : memref<65536xf32, #tpu.memory_space<vmem>> -> memref<128xf32, #tpu.memory_space<vmem>>
    %gather3A_159 = tpu.vector_load_idx %gather3A_158[%add3A_120] masked %ge3A_78 : memref<128xf32, #tpu.memory_space<vmem>>[vector<16xi32>], vector<16xf32>, vector<16xi1>
    %abs3A_160 = math.absf %gather3A_159 : vector<16xf32>
    %gather3A_161 = arith.constant 0 : i32
    %gather3A_162 = tpu.memref_slice %arg4[%gather3A_161] : memref<65536xf32, #tpu.memory_space<vmem>> -> memref<128xf32, #tpu.memory_space<vmem>>
    %gather3A_163 = tpu.vector_load_idx %gather3A_162[%add3A_126] masked %ge3A_78 : memref<128xf32, #tpu.memory_space<vmem>>[vector<16xi32>], vector<16xf32>, vector<16xi1>
    %abs3A_164 = math.absf %gather3A_163 : vector<16xf32>
    %scan3A = arith.constant 0 : i32
    %scan3A_165 = arith.constant 63 : i32
    %scan3A_166 = arith.addi %scan3A, %scan3A_165 : i32
    %scan3A_167 = arith.constant 1 : i32
    %scan3A_168:8 = scf.for %scan3A_619 = %scan3A to %scan3A_166 step %scan3A_167 iter_args(%scan3A_620 = %abs3A, %scan3A_621 = %abs3A_140, %scan3A_622 = %abs3A_144, %scan3A_623 = %abs3A_148, %scan3A_624 = %abs3A_152, %scan3A_625 = %abs3A_156, %scan3A_626 = %abs3A_160, %scan3A_627 = %abs3A_164) -> (vector<16xf32>, vector<16xf32>, vector<16xf32>, vector<16xf32>, vector<16xf32>, vector<16xf32>, vector<16xf32>, vector<16xf32>)  : i32 {
      %mul3A_628 = arith.constant 2 : i32
      %mul3A_629 = arith.muli %mul3A_628, %scan3A_619 : i32
      %add3A_630 = arith.constant 2 : i32
      %add3A_631 = arith.addi %mul3A_629, %add3A_630 : i32
      %mul3A_632 = arith.constant 2 : i32
      %mul3A_633 = arith.muli %mul3A_632, %scan3A_619 : i32
      %add3A_634 = arith.constant 1 : i32
      %add3A_635 = arith.addi %mul3A_633, %add3A_634 : i32
      %add3A_636 = arith.constant 0 : i32
      %add3A_637 = arith.addi %add3A_636, %add3A_635 : i32
      %mul3A_638 = arith.constant 128 : i32
      %mul3A_639 = arith.muli %add3A_637, %mul3A_638 : i32
      %gather3A_640 = tpu.memref_slice %arg4[%mul3A_639] : memref<65536xf32, #tpu.memory_space<vmem>> -> memref<128xf32, #tpu.memory_space<vmem>>
      %gather3A_641 = tpu.vector_load_idx %gather3A_640[%add3A_84] masked %ge3A_78 : memref<128xf32, #tpu.memory_space<vmem>>[vector<16xi32>], vector<16xf32>, vector<16xi1>
      %abs3A_642 = math.absf %gather3A_641 : vector<16xf32>
      %gather3A_643 = tpu.memref_slice %arg4[%mul3A_639] : memref<65536xf32, #tpu.memory_space<vmem>> -> memref<128xf32, #tpu.memory_space<vmem>>
      %gather3A_644 = tpu.vector_load_idx %gather3A_643[%add3A_90] masked %ge3A_78 : memref<128xf32, #tpu.memory_space<vmem>>[vector<16xi32>], vector<16xf32>, vector<16xi1>
      %abs3A_645 = math.absf %gather3A_644 : vector<16xf32>
      %gather3A_646 = tpu.memref_slice %arg4[%mul3A_639] : memref<65536xf32, #tpu.memory_space<vmem>> -> memref<128xf32, #tpu.memory_space<vmem>>
      %gather3A_647 = tpu.vector_load_idx %gather3A_646[%add3A_96] masked %ge3A_78 : memref<128xf32, #tpu.memory_space<vmem>>[vector<16xi32>], vector<16xf32>, vector<16xi1>
      %abs3A_648 = math.absf %gather3A_647 : vector<16xf32>
      %gather3A_649 = tpu.memref_slice %arg4[%mul3A_639] : memref<65536xf32, #tpu.memory_space<vmem>> -> memref<128xf32, #tpu.memory_space<vmem>>
      %gather3A_650 = tpu.vector_load_idx %gather3A_649[%add3A_102] masked %ge3A_78 : memref<128xf32, #tpu.memory_space<vmem>>[vector<16xi32>], vector<16xf32>, vector<16xi1>
      %abs3A_651 = math.absf %gather3A_650 : vector<16xf32>
      %gather3A_652 = tpu.memref_slice %arg4[%mul3A_639] : memref<65536xf32, #tpu.memory_space<vmem>> -> memref<128xf32, #tpu.memory_space<vmem>>
      %gather3A_653 = tpu.vector_load_idx %gather3A_652[%add3A_108] masked %ge3A_78 : memref<128xf32, #tpu.memory_space<vmem>>[vector<16xi32>], vector<16xf32>, vector<16xi1>
      %abs3A_654 = math.absf %gather3A_653 : vector<16xf32>
      %gather3A_655 = tpu.memref_slice %arg4[%mul3A_639] : memref<65536xf32, #tpu.memory_space<vmem>> -> memref<128xf32, #tpu.memory_space<vmem>>
      %gather3A_656 = tpu.vector_load_idx %gather3A_655[%add3A_114] masked %ge3A_78 : memref<128xf32, #tpu.memory_space<vmem>>[vector<16xi32>], vector<16xf32>, vector<16xi1>
      %abs3A_657 = math.absf %gather3A_656 : vector<16xf32>
      %gather3A_658 = tpu.memref_slice %arg4[%mul3A_639] : memref<65536xf32, #tpu.memory_space<vmem>> -> memref<128xf32, #tpu.memory_space<vmem>>
      %gather3A_659 = tpu.vector_load_idx %gather3A_658[%add3A_120] masked %ge3A_78 : memref<128xf32, #tpu.memory_space<vmem>>[vector<16xi32>], vector<16xf32>, vector<16xi1>
      %abs3A_660 = math.absf %gather3A_659 : vector<16xf32>
      %gather3A_661 = tpu.memref_slice %arg4[%mul3A_639] : memref<65536xf32, #tpu.memory_space<vmem>> -> memref<128xf32, #tpu.memory_space<vmem>>
      %gather3A_662 = tpu.vector_load_idx %gather3A_661[%add3A_126] masked %ge3A_78 : memref<128xf32, #tpu.memory_space<vmem>>[vector<16xi32>], vector<16xf32>, vector<16xi1>
      %abs3A_663 = math.absf %gather3A_662 : vector<16xf32>
      %reshape3A_664 = vector.shape_cast %and3A_65 : vector<16xi32> to vector<16x1xi32>
      %gather3A_665 = vector.shape_cast %reshape3A_664 : vector<16x1xi32> to vector<16xi32>
      %gather3A_666 = tpu.dynamic_gather %scan3A_627[%gather3A_665] in [0] : vector<16xf32>, vector<16xi32> -> vector<16xf32>
      %select_n3A_667 = arith.select %eq3A_73, %broadcast_in_dim3A_60, %gather3A_666 : vector<16xi1>, vector<16xf32>
      %reshape3A_668 = vector.shape_cast %and3A_71 : vector<16xi32> to vector<16x1xi32>
      %gather3A_669 = vector.shape_cast %reshape3A_668 : vector<16x1xi32> to vector<16xi32>
      %gather3A_670 = tpu.dynamic_gather %scan3A_620[%gather3A_669] in [0] : vector<16xf32>, vector<16xi32> -> vector<16xf32>
      %select_n3A_671 = arith.select %eq3A_76, %broadcast_in_dim3A_60, %gather3A_670 : vector<16xi1>, vector<16xf32>
      %min3A_672 = arith.minimumf %select_n3A_667, %scan3A_620 : vector<16xf32>
      %min3A_673 = arith.minimumf %min3A_672, %scan3A_621 : vector<16xf32>
      %add3A_674 = arith.addf %abs3A_642, %min3A_673 : vector<16xf32>
      %min3A_675 = arith.minimumf %scan3A_620, %scan3A_621 : vector<16xf32>
      %min3A_676 = arith.minimumf %min3A_675, %scan3A_622 : vector<16xf32>
      %add3A_677 = arith.addf %abs3A_645, %min3A_676 : vector<16xf32>
      %min3A_678 = arith.minimumf %scan3A_621, %scan3A_622 : vector<16xf32>
      %min3A_679 = arith.minimumf %min3A_678, %scan3A_623 : vector<16xf32>
      %add3A_680 = arith.addf %abs3A_648, %min3A_679 : vector<16xf32>
      %min3A_681 = arith.minimumf %scan3A_622, %scan3A_623 : vector<16xf32>
      %min3A_682 = arith.minimumf %min3A_681, %scan3A_624 : vector<16xf32>
      %add3A_683 = arith.addf %abs3A_651, %min3A_682 : vector<16xf32>
      %min3A_684 = arith.minimumf %scan3A_623, %scan3A_624 : vector<16xf32>
      %min3A_685 = arith.minimumf %min3A_684, %scan3A_625 : vector<16xf32>
      %add3A_686 = arith.addf %abs3A_654, %min3A_685 : vector<16xf32>
      %min3A_687 = arith.minimumf %scan3A_624, %scan3A_625 : vector<16xf32>
      %min3A_688 = arith.minimumf %min3A_687, %scan3A_626 : vector<16xf32>
      %add3A_689 = arith.addf %abs3A_657, %min3A_688 : vector<16xf32>
      %min3A_690 = arith.minimumf %scan3A_625, %scan3A_626 : vector<16xf32>
      %min3A_691 = arith.minimumf %min3A_690, %scan3A_627 : vector<16xf32>
      %add3A_692 = arith.addf %abs3A_660, %min3A_691 : vector<16xf32>
      %min3A_693 = arith.minimumf %scan3A_626, %scan3A_627 : vector<16xf32>
      %min3A_694 = arith.minimumf %min3A_693, %select_n3A_671 : vector<16xf32>
      %add3A_695 = arith.addf %abs3A_663, %min3A_694 : vector<16xf32>
      %add3A_696 = arith.constant 0 : i32
      %add3A_697 = arith.addi %add3A_696, %add3A_631 : i32
      %mul3A_698 = arith.constant 128 : i32
      %mul3A_699 = arith.muli %add3A_697, %mul3A_698 : i32
      %gather3A_700 = tpu.memref_slice %arg4[%mul3A_699] : memref<65536xf32, #tpu.memory_space<vmem>> -> memref<128xf32, #tpu.memory_space<vmem>>
      %gather3A_701 = tpu.vector_load_idx %gather3A_700[%add3A_84] masked %ge3A_78 : memref<128xf32, #tpu.memory_space<vmem>>[vector<16xi32>], vector<16xf32>, vector<16xi1>
      %abs3A_702 = math.absf %gather3A_701 : vector<16xf32>
      %gather3A_703 = tpu.memref_slice %arg4[%mul3A_699] : memref<65536xf32, #tpu.memory_space<vmem>> -> memref<128xf32, #tpu.memory_space<vmem>>
      %gather3A_704 = tpu.vector_load_idx %gather3A_703[%add3A_90] masked %ge3A_78 : memref<128xf32, #tpu.memory_space<vmem>>[vector<16xi32>], vector<16xf32>, vector<16xi1>
      %abs3A_705 = math.absf %gather3A_704 : vector<16xf32>
      %gather3A_706 = tpu.memref_slice %arg4[%mul3A_699] : memref<65536xf32, #tpu.memory_space<vmem>> -> memref<128xf32, #tpu.memory_space<vmem>>
      %gather3A_707 = tpu.vector_load_idx %gather3A_706[%add3A_96] masked %ge3A_78 : memref<128xf32, #tpu.memory_space<vmem>>[vector<16xi32>], vector<16xf32>, vector<16xi1>
      %abs3A_708 = math.absf %gather3A_707 : vector<16xf32>
      %gather3A_709 = tpu.memref_slice %arg4[%mul3A_699] : memref<65536xf32, #tpu.memory_space<vmem>> -> memref<128xf32, #tpu.memory_space<vmem>>
      %gather3A_710 = tpu.vector_load_idx %gather3A_709[%add3A_102] masked %ge3A_78 : memref<128xf32, #tpu.memory_space<vmem>>[vector<16xi32>], vector<16xf32>, vector<16xi1>
      %abs3A_711 = math.absf %gather3A_710 : vector<16xf32>
      %gather3A_712 = tpu.memref_slice %arg4[%mul3A_699] : memref<65536xf32, #tpu.memory_space<vmem>> -> memref<128xf32, #tpu.memory_space<vmem>>
      %gather3A_713 = tpu.vector_load_idx %gather3A_712[%add3A_108] masked %ge3A_78 : memref<128xf32, #tpu.memory_space<vmem>>[vector<16xi32>], vector<16xf32>, vector<16xi1>
      %abs3A_714 = math.absf %gather3A_713 : vector<16xf32>
      %gather3A_715 = tpu.memref_slice %arg4[%mul3A_699] : memref<65536xf32, #tpu.memory_space<vmem>> -> memref<128xf32, #tpu.memory_space<vmem>>
      %gather3A_716 = tpu.vector_load_idx %gather3A_715[%add3A_114] masked %ge3A_78 : memref<128xf32, #tpu.memory_space<vmem>>[vector<16xi32>], vector<16xf32>, vector<16xi1>
      %abs3A_717 = math.absf %gather3A_716 : vector<16xf32>
      %gather3A_718 = tpu.memref_slice %arg4[%mul3A_699] : memref<65536xf32, #tpu.memory_space<vmem>> -> memref<128xf32, #tpu.memory_space<vmem>>
      %gather3A_719 = tpu.vector_load_idx %gather3A_718[%add3A_120] masked %ge3A_78 : memref<128xf32, #tpu.memory_space<vmem>>[vector<16xi32>], vector<16xf32>, vector<16xi1>
      %abs3A_720 = math.absf %gather3A_719 : vector<16xf32>
      %gather3A_721 = tpu.memref_slice %arg4[%mul3A_699] : memref<65536xf32, #tpu.memory_space<vmem>> -> memref<128xf32, #tpu.memory_space<vmem>>
      %gather3A_722 = tpu.vector_load_idx %gather3A_721[%add3A_126] masked %ge3A_78 : memref<128xf32, #tpu.memory_space<vmem>>[vector<16xi32>], vector<16xf32>, vector<16xi1>
      %abs3A_723 = math.absf %gather3A_722 : vector<16xf32>
      %reshape3A_724 = vector.shape_cast %and3A_65 : vector<16xi32> to vector<16x1xi32>
      %gather3A_725 = vector.shape_cast %reshape3A_724 : vector<16x1xi32> to vector<16xi32>
      %gather3A_726 = tpu.dynamic_gather %add3A_695[%gather3A_725] in [0] : vector<16xf32>, vector<16xi32> -> vector<16xf32>
      %select_n3A_727 = arith.select %eq3A_73, %broadcast_in_dim3A_60, %gather3A_726 : vector<16xi1>, vector<16xf32>
      %reshape3A_728 = vector.shape_cast %and3A_71 : vector<16xi32> to vector<16x1xi32>
      %gather3A_729 = vector.shape_cast %reshape3A_728 : vector<16x1xi32> to vector<16xi32>
      %gather3A_730 = tpu.dynamic_gather %add3A_674[%gather3A_729] in [0] : vector<16xf32>, vector<16xi32> -> vector<16xf32>
      %select_n3A_731 = arith.select %eq3A_76, %broadcast_in_dim3A_60, %gather3A_730 : vector<16xi1>, vector<16xf32>
      %min3A_732 = arith.minimumf %select_n3A_727, %add3A_674 : vector<16xf32>
      %min3A_733 = arith.minimumf %min3A_732, %add3A_677 : vector<16xf32>
      %add3A_734 = arith.addf %abs3A_702, %min3A_733 : vector<16xf32>
      %min3A_735 = arith.minimumf %add3A_674, %add3A_677 : vector<16xf32>
      %min3A_736 = arith.minimumf %min3A_735, %add3A_680 : vector<16xf32>
      %add3A_737 = arith.addf %abs3A_705, %min3A_736 : vector<16xf32>
      %min3A_738 = arith.minimumf %add3A_677, %add3A_680 : vector<16xf32>
      %min3A_739 = arith.minimumf %min3A_738, %add3A_683 : vector<16xf32>
      %add3A_740 = arith.addf %abs3A_708, %min3A_739 : vector<16xf32>
      %min3A_741 = arith.minimumf %add3A_680, %add3A_683 : vector<16xf32>
      %min3A_742 = arith.minimumf %min3A_741, %add3A_686 : vector<16xf32>
      %add3A_743 = arith.addf %abs3A_711, %min3A_742 : vector<16xf32>
      %min3A_744 = arith.minimumf %add3A_683, %add3A_686 : vector<16xf32>
      %min3A_745 = arith.minimumf %min3A_744, %add3A_689 : vector<16xf32>
      %add3A_746 = arith.addf %abs3A_714, %min3A_745 : vector<16xf32>
      %min3A_747 = arith.minimumf %add3A_686, %add3A_689 : vector<16xf32>
      %min3A_748 = arith.minimumf %min3A_747, %add3A_692 : vector<16xf32>
      %add3A_749 = arith.addf %abs3A_717, %min3A_748 : vector<16xf32>
      %min3A_750 = arith.minimumf %add3A_689, %add3A_692 : vector<16xf32>
      %min3A_751 = arith.minimumf %min3A_750, %add3A_695 : vector<16xf32>
      %add3A_752 = arith.addf %abs3A_720, %min3A_751 : vector<16xf32>
      %min3A_753 = arith.minimumf %add3A_692, %add3A_695 : vector<16xf32>
      %min3A_754 = arith.minimumf %min3A_753, %select_n3A_731 : vector<16xf32>
      %add3A_755 = arith.addf %abs3A_723, %min3A_754 : vector<16xf32>
      scf.yield %add3A_734, %add3A_737, %add3A_740, %add3A_743, %add3A_746, %add3A_749, %add3A_752, %add3A_755 : vector<16xf32>, vector<16xf32>, vector<16xf32>, vector<16xf32>, vector<16xf32>, vector<16xf32>, vector<16xf32>, vector<16xf32>
    }
    %scan3A_169 = arith.constant 63 : i32
    %gather3A_170 = arith.constant 16256 : i32
    %gather3A_171 = tpu.memref_slice %arg4[%gather3A_170] : memref<65536xf32, #tpu.memory_space<vmem>> -> memref<128xf32, #tpu.memory_space<vmem>>
    %gather3A_172 = tpu.vector_load_idx %gather3A_171[%add3A_84] masked %ge3A_78 : memref<128xf32, #tpu.memory_space<vmem>>[vector<16xi32>], vector<16xf32>, vector<16xi1>
    %abs3A_173 = math.absf %gather3A_172 : vector<16xf32>
    %gather3A_174 = arith.constant 16256 : i32
    %gather3A_175 = tpu.memref_slice %arg4[%gather3A_174] : memref<65536xf32, #tpu.memory_space<vmem>> -> memref<128xf32, #tpu.memory_space<vmem>>
    %gather3A_176 = tpu.vector_load_idx %gather3A_175[%add3A_90] masked %ge3A_78 : memref<128xf32, #tpu.memory_space<vmem>>[vector<16xi32>], vector<16xf32>, vector<16xi1>
    %abs3A_177 = math.absf %gather3A_176 : vector<16xf32>
    %gather3A_178 = arith.constant 16256 : i32
    %gather3A_179 = tpu.memref_slice %arg4[%gather3A_178] : memref<65536xf32, #tpu.memory_space<vmem>> -> memref<128xf32, #tpu.memory_space<vmem>>
    %gather3A_180 = tpu.vector_load_idx %gather3A_179[%add3A_96] masked %ge3A_78 : memref<128xf32, #tpu.memory_space<vmem>>[vector<16xi32>], vector<16xf32>, vector<16xi1>
    %abs3A_181 = math.absf %gather3A_180 : vector<16xf32>
    %gather3A_182 = arith.constant 16256 : i32
    %gather3A_183 = tpu.memref_slice %arg4[%gather3A_182] : memref<65536xf32, #tpu.memory_space<vmem>> -> memref<128xf32, #tpu.memory_space<vmem>>
    %gather3A_184 = tpu.vector_load_idx %gather3A_183[%add3A_102] masked %ge3A_78 : memref<128xf32, #tpu.memory_space<vmem>>[vector<16xi32>], vector<16xf32>, vector<16xi1>
    %abs3A_185 = math.absf %gather3A_184 : vector<16xf32>
    %gather3A_186 = arith.constant 16256 : i32
    %gather3A_187 = tpu.memref_slice %arg4[%gather3A_186] : memref<65536xf32, #tpu.memory_space<vmem>> -> memref<128xf32, #tpu.memory_space<vmem>>
    %gather3A_188 = tpu.vector_load_idx %gather3A_187[%add3A_108] masked %ge3A_78 : memref<128xf32, #tpu.memory_space<vmem>>[vector<16xi32>], vector<16xf32>, vector<16xi1>
    %abs3A_189 = math.absf %gather3A_188 : vector<16xf32>
    %gather3A_190 = arith.constant 16256 : i32
    %gather3A_191 = tpu.memref_slice %arg4[%gather3A_190] : memref<65536xf32, #tpu.memory_space<vmem>> -> memref<128xf32, #tpu.memory_space<vmem>>
    %gather3A_192 = tpu.vector_load_idx %gather3A_191[%add3A_114] masked %ge3A_78 : memref<128xf32, #tpu.memory_space<vmem>>[vector<16xi32>], vector<16xf32>, vector<16xi1>
    %abs3A_193 = math.absf %gather3A_192 : vector<16xf32>
    %gather3A_194 = arith.constant 16256 : i32
    %gather3A_195 = tpu.memref_slice %arg4[%gather3A_194] : memref<65536xf32, #tpu.memory_space<vmem>> -> memref<128xf32, #tpu.memory_space<vmem>>
    %gather3A_196 = tpu.vector_load_idx %gather3A_195[%add3A_120] masked %ge3A_78 : memref<128xf32, #tpu.memory_space<vmem>>[vector<16xi32>], vector<16xf32>, vector<16xi1>
    %abs3A_197 = math.absf %gather3A_196 : vector<16xf32>
    %gather3A_198 = arith.constant 16256 : i32
    %gather3A_199 = tpu.memref_slice %arg4[%gather3A_198] : memref<65536xf32, #tpu.memory_space<vmem>> -> memref<128xf32, #tpu.memory_space<vmem>>
    %gather3A_200 = tpu.vector_load_idx %gather3A_199[%add3A_126] masked %ge3A_78 : memref<128xf32, #tpu.memory_space<vmem>>[vector<16xi32>], vector<16xf32>, vector<16xi1>
    %abs3A_201 = math.absf %gather3A_200 : vector<16xf32>
    %reshape3A = vector.shape_cast %and3A_65 : vector<16xi32> to vector<16x1xi32>
    %gather3A_202 = vector.shape_cast %reshape3A : vector<16x1xi32> to vector<16xi32>
    %gather3A_203 = tpu.dynamic_gather %scan3A_168#7[%gather3A_202] in [0] : vector<16xf32>, vector<16xi32> -> vector<16xf32>
    %select_n3A = arith.select %eq3A_73, %broadcast_in_dim3A_60, %gather3A_203 : vector<16xi1>, vector<16xf32>
    %reshape3A_204 = vector.shape_cast %and3A_71 : vector<16xi32> to vector<16x1xi32>
    %gather3A_205 = vector.shape_cast %reshape3A_204 : vector<16x1xi32> to vector<16xi32>
    %gather3A_206 = tpu.dynamic_gather %scan3A_168#0[%gather3A_205] in [0] : vector<16xf32>, vector<16xi32> -> vector<16xf32>
    %select_n3A_207 = arith.select %eq3A_76, %broadcast_in_dim3A_60, %gather3A_206 : vector<16xi1>, vector<16xf32>
    %min3A = arith.minimumf %select_n3A, %scan3A_168#0 : vector<16xf32>
    %min3A_208 = arith.minimumf %min3A, %scan3A_168#1 : vector<16xf32>
    %add3A_209 = arith.addf %abs3A_173, %min3A_208 : vector<16xf32>
    %min3A_210 = arith.minimumf %scan3A_168#0, %scan3A_168#1 : vector<16xf32>
    %min3A_211 = arith.minimumf %min3A_210, %scan3A_168#2 : vector<16xf32>
    %add3A_212 = arith.addf %abs3A_177, %min3A_211 : vector<16xf32>
    %min3A_213 = arith.minimumf %scan3A_168#1, %scan3A_168#2 : vector<16xf32>
    %min3A_214 = arith.minimumf %min3A_213, %scan3A_168#3 : vector<16xf32>
    %add3A_215 = arith.addf %abs3A_181, %min3A_214 : vector<16xf32>
    %min3A_216 = arith.minimumf %scan3A_168#2, %scan3A_168#3 : vector<16xf32>
    %min3A_217 = arith.minimumf %min3A_216, %scan3A_168#4 : vector<16xf32>
    %add3A_218 = arith.addf %abs3A_185, %min3A_217 : vector<16xf32>
    %min3A_219 = arith.minimumf %scan3A_168#3, %scan3A_168#4 : vector<16xf32>
    %min3A_220 = arith.minimumf %min3A_219, %scan3A_168#5 : vector<16xf32>
    %add3A_221 = arith.addf %abs3A_189, %min3A_220 : vector<16xf32>
    %min3A_222 = arith.minimumf %scan3A_168#4, %scan3A_168#5 : vector<16xf32>
    %min3A_223 = arith.minimumf %min3A_222, %scan3A_168#6 : vector<16xf32>
    %add3A_224 = arith.addf %abs3A_193, %min3A_223 : vector<16xf32>
    %min3A_225 = arith.minimumf %scan3A_168#5, %scan3A_168#6 : vector<16xf32>
    %min3A_226 = arith.minimumf %min3A_225, %scan3A_168#7 : vector<16xf32>
    %add3A_227 = arith.addf %abs3A_197, %min3A_226 : vector<16xf32>
    %min3A_228 = arith.minimumf %scan3A_168#6, %scan3A_168#7 : vector<16xf32>
    %min3A_229 = arith.minimumf %min3A_228, %select_n3A_207 : vector<16xf32>
    %add3A_230 = arith.addf %abs3A_201, %min3A_229 : vector<16xf32>
    %min3A_231 = arith.minimumf %add3A_209, %add3A_212 : vector<16xf32>
    %min3A_232 = arith.minimumf %min3A_231, %add3A_215 : vector<16xf32>
    %min3A_233 = arith.minimumf %min3A_232, %add3A_218 : vector<16xf32>
    %min3A_234 = arith.minimumf %min3A_233, %add3A_221 : vector<16xf32>
    %min3A_235 = arith.minimumf %min3A_234, %add3A_224 : vector<16xf32>
    %min3A_236 = arith.minimumf %min3A_235, %add3A_227 : vector<16xf32>
    %min3A_237 = arith.minimumf %min3A_236, %add3A_230 : vector<16xf32>
    %reduce_min3A = arith.constant true
    %reduce_min3A_238 = vector.broadcast %reduce_min3A : i1 to vector<16xi1>
    %reduce_min3A_239 = tpu.scan <min>, %min3A_237 masked %reduce_min3A_238 : vector<16xf32>, vector<16xi1> -> vector<16xf32>
    %reduce_min3A_240 = vector.extract %reduce_min3A_239[15] : f32 from vector<16xf32>
    %broadcast_in_dim3A_241 = vector.broadcast %reduce_min3A_240 : f32 to vector<16xf32>
    %broadcast_in_dim3A_242 = arith.constant 0 : i32
    %broadcast_in_dim3A_243 = vector.broadcast %broadcast_in_dim3A_242 : i32 to vector<16xi32>
    tpu.vector_store_idx %arg5[%broadcast_in_dim3A_243], %broadcast_in_dim3A_241 masked %eq3A_73 : memref<4xf32, #tpu.memory_space<vmem>>[vector<16xi32>], vector<16xf32>, vector<16xi1>
    %dma_wait3A_244 = arith.constant 1 : i32
    %dma_wait3A_245 = arith.constant 16384 : i32
    %dma_wait3A_246 = tpu.memref_slice %arg4[%dma_wait3A_245] : memref<65536xf32, #tpu.memory_space<vmem>> -> memref<16384xf32, #tpu.memory_space<vmem>>
    %dma_wait3A_247 = tpu.memref_slice %arg2[%mul3A_20] : memref<2097152xf32, #tpu.memory_space<hbm>> -> memref<16384xf32, #tpu.memory_space<hbm>>
    %dma_wait3A_248 = tpu.memref_slice %arg6[%dma_wait3A_244] : memref<4x!tpu.dma_semaphore, #tpu.memory_space<semaphore_mem>> -> memref<1x!tpu.dma_semaphore, #tpu.memory_space<semaphore_mem>>
    %dma_wait3A_249 = tpu.memref_squeeze %dma_wait3A_248 : memref<1x!tpu.dma_semaphore, #tpu.memory_space<semaphore_mem>> -> memref<!tpu.dma_semaphore, #tpu.memory_space<semaphore_mem>>
    %dma_wait3A_250 = arith.constant 16384 : i32
    %dma_wait3A_251 = tpu.memref_slice %arg4[%dma_wait3A_250] : memref<65536xf32, #tpu.memory_space<vmem>> -> memref<16384xf32, #tpu.memory_space<vmem>>
    %dma_wait3A_252 = tpu.memref_slice %arg2[%mul3A_20] : memref<2097152xf32, #tpu.memory_space<hbm>> -> memref<16384xf32, #tpu.memory_space<hbm>>
    tpu.wait_dma2 semaphore(%dma_wait3A_249 : memref<!tpu.dma_semaphore, #tpu.memory_space<semaphore_mem>>) src(%dma_wait3A_252 : memref<16384xf32, #tpu.memory_space<hbm>>) dst(%dma_wait3A_251 : memref<16384xf32, #tpu.memory_space<vmem>>)
    %gather3A_253 = arith.constant 16384 : i32
    %gather3A_254 = tpu.memref_slice %arg4[%gather3A_253] : memref<65536xf32, #tpu.memory_space<vmem>> -> memref<128xf32, #tpu.memory_space<vmem>>
    %gather3A_255 = tpu.vector_load_idx %gather3A_254[%add3A_84] masked %ge3A_78 : memref<128xf32, #tpu.memory_space<vmem>>[vector<16xi32>], vector<16xf32>, vector<16xi1>
    %abs3A_256 = math.absf %gather3A_255 : vector<16xf32>
    %gather3A_257 = arith.constant 16384 : i32
    %gather3A_258 = tpu.memref_slice %arg4[%gather3A_257] : memref<65536xf32, #tpu.memory_space<vmem>> -> memref<128xf32, #tpu.memory_space<vmem>>
    %gather3A_259 = tpu.vector_load_idx %gather3A_258[%add3A_90] masked %ge3A_78 : memref<128xf32, #tpu.memory_space<vmem>>[vector<16xi32>], vector<16xf32>, vector<16xi1>
    %abs3A_260 = math.absf %gather3A_259 : vector<16xf32>
    %gather3A_261 = arith.constant 16384 : i32
    %gather3A_262 = tpu.memref_slice %arg4[%gather3A_261] : memref<65536xf32, #tpu.memory_space<vmem>> -> memref<128xf32, #tpu.memory_space<vmem>>
    %gather3A_263 = tpu.vector_load_idx %gather3A_262[%add3A_96] masked %ge3A_78 : memref<128xf32, #tpu.memory_space<vmem>>[vector<16xi32>], vector<16xf32>, vector<16xi1>
    %abs3A_264 = math.absf %gather3A_263 : vector<16xf32>
    %gather3A_265 = arith.constant 16384 : i32
    %gather3A_266 = tpu.memref_slice %arg4[%gather3A_265] : memref<65536xf32, #tpu.memory_space<vmem>> -> memref<128xf32, #tpu.memory_space<vmem>>
    %gather3A_267 = tpu.vector_load_idx %gather3A_266[%add3A_102] masked %ge3A_78 : memref<128xf32, #tpu.memory_space<vmem>>[vector<16xi32>], vector<16xf32>, vector<16xi1>
    %abs3A_268 = math.absf %gather3A_267 : vector<16xf32>
    %gather3A_269 = arith.constant 16384 : i32
    %gather3A_270 = tpu.memref_slice %arg4[%gather3A_269] : memref<65536xf32, #tpu.memory_space<vmem>> -> memref<128xf32, #tpu.memory_space<vmem>>
    %gather3A_271 = tpu.vector_load_idx %gather3A_270[%add3A_108] masked %ge3A_78 : memref<128xf32, #tpu.memory_space<vmem>>[vector<16xi32>], vector<16xf32>, vector<16xi1>
    %abs3A_272 = math.absf %gather3A_271 : vector<16xf32>
    %gather3A_273 = arith.constant 16384 : i32
    %gather3A_274 = tpu.memref_slice %arg4[%gather3A_273] : memref<65536xf32, #tpu.memory_space<vmem>> -> memref<128xf32, #tpu.memory_space<vmem>>
    %gather3A_275 = tpu.vector_load_idx %gather3A_274[%add3A_114] masked %ge3A_78 : memref<128xf32, #tpu.memory_space<vmem>>[vector<16xi32>], vector<16xf32>, vector<16xi1>
    %abs3A_276 = math.absf %gather3A_275 : vector<16xf32>
    %gather3A_277 = arith.constant 16384 : i32
    %gather3A_278 = tpu.memref_slice %arg4[%gather3A_277] : memref<65536xf32, #tpu.memory_space<vmem>> -> memref<128xf32, #tpu.memory_space<vmem>>
    %gather3A_279 = tpu.vector_load_idx %gather3A_278[%add3A_120] masked %ge3A_78 : memref<128xf32, #tpu.memory_space<vmem>>[vector<16xi32>], vector<16xf32>, vector<16xi1>
    %abs3A_280 = math.absf %gather3A_279 : vector<16xf32>
    %gather3A_281 = arith.constant 16384 : i32
    %gather3A_282 = tpu.memref_slice %arg4[%gather3A_281] : memref<65536xf32, #tpu.memory_space<vmem>> -> memref<128xf32, #tpu.memory_space<vmem>>
    %gather3A_283 = tpu.vector_load_idx %gather3A_282[%add3A_126] masked %ge3A_78 : memref<128xf32, #tpu.memory_space<vmem>>[vector<16xi32>], vector<16xf32>, vector<16xi1>
    %abs3A_284 = math.absf %gather3A_283 : vector<16xf32>
    %scan3A_285 = arith.constant 0 : i32
    %scan3A_286 = arith.constant 63 : i32
    %scan3A_287 = arith.addi %scan3A_285, %scan3A_286 : i32
    %scan3A_288 = arith.constant 1 : i32
    %scan3A_289:8 = scf.for %scan3A_619 = %scan3A_285 to %scan3A_287 step %scan3A_288 iter_args(%scan3A_620 = %abs3A_256, %scan3A_621 = %abs3A_260, %scan3A_622 = %abs3A_264, %scan3A_623 = %abs3A_268, %scan3A_624 = %abs3A_272, %scan3A_625 = %abs3A_276, %scan3A_626 = %abs3A_280, %scan3A_627 = %abs3A_284) -> (vector<16xf32>, vector<16xf32>, vector<16xf32>, vector<16xf32>, vector<16xf32>, vector<16xf32>, vector<16xf32>, vector<16xf32>)  : i32 {
      %mul3A_628 = arith.constant 2 : i32
      %mul3A_629 = arith.muli %mul3A_628, %scan3A_619 : i32
      %add3A_630 = arith.constant 2 : i32
      %add3A_631 = arith.addi %mul3A_629, %add3A_630 : i32
      %mul3A_632 = arith.constant 2 : i32
      %mul3A_633 = arith.muli %mul3A_632, %scan3A_619 : i32
      %add3A_634 = arith.constant 1 : i32
      %add3A_635 = arith.addi %mul3A_633, %add3A_634 : i32
      %add3A_636 = arith.constant 128 : i32
      %add3A_637 = arith.addi %add3A_636, %add3A_635 : i32
      %mul3A_638 = arith.constant 128 : i32
      %mul3A_639 = arith.muli %add3A_637, %mul3A_638 : i32
      %gather3A_640 = tpu.memref_slice %arg4[%mul3A_639] : memref<65536xf32, #tpu.memory_space<vmem>> -> memref<128xf32, #tpu.memory_space<vmem>>
      %gather3A_641 = tpu.vector_load_idx %gather3A_640[%add3A_84] masked %ge3A_78 : memref<128xf32, #tpu.memory_space<vmem>>[vector<16xi32>], vector<16xf32>, vector<16xi1>
      %abs3A_642 = math.absf %gather3A_641 : vector<16xf32>
      %gather3A_643 = tpu.memref_slice %arg4[%mul3A_639] : memref<65536xf32, #tpu.memory_space<vmem>> -> memref<128xf32, #tpu.memory_space<vmem>>
      %gather3A_644 = tpu.vector_load_idx %gather3A_643[%add3A_90] masked %ge3A_78 : memref<128xf32, #tpu.memory_space<vmem>>[vector<16xi32>], vector<16xf32>, vector<16xi1>
      %abs3A_645 = math.absf %gather3A_644 : vector<16xf32>
      %gather3A_646 = tpu.memref_slice %arg4[%mul3A_639] : memref<65536xf32, #tpu.memory_space<vmem>> -> memref<128xf32, #tpu.memory_space<vmem>>
      %gather3A_647 = tpu.vector_load_idx %gather3A_646[%add3A_96] masked %ge3A_78 : memref<128xf32, #tpu.memory_space<vmem>>[vector<16xi32>], vector<16xf32>, vector<16xi1>
      %abs3A_648 = math.absf %gather3A_647 : vector<16xf32>
      %gather3A_649 = tpu.memref_slice %arg4[%mul3A_639] : memref<65536xf32, #tpu.memory_space<vmem>> -> memref<128xf32, #tpu.memory_space<vmem>>
      %gather3A_650 = tpu.vector_load_idx %gather3A_649[%add3A_102] masked %ge3A_78 : memref<128xf32, #tpu.memory_space<vmem>>[vector<16xi32>], vector<16xf32>, vector<16xi1>
      %abs3A_651 = math.absf %gather3A_650 : vector<16xf32>
      %gather3A_652 = tpu.memref_slice %arg4[%mul3A_639] : memref<65536xf32, #tpu.memory_space<vmem>> -> memref<128xf32, #tpu.memory_space<vmem>>
      %gather3A_653 = tpu.vector_load_idx %gather3A_652[%add3A_108] masked %ge3A_78 : memref<128xf32, #tpu.memory_space<vmem>>[vector<16xi32>], vector<16xf32>, vector<16xi1>
      %abs3A_654 = math.absf %gather3A_653 : vector<16xf32>
      %gather3A_655 = tpu.memref_slice %arg4[%mul3A_639] : memref<65536xf32, #tpu.memory_space<vmem>> -> memref<128xf32, #tpu.memory_space<vmem>>
      %gather3A_656 = tpu.vector_load_idx %gather3A_655[%add3A_114] masked %ge3A_78 : memref<128xf32, #tpu.memory_space<vmem>>[vector<16xi32>], vector<16xf32>, vector<16xi1>
      %abs3A_657 = math.absf %gather3A_656 : vector<16xf32>
      %gather3A_658 = tpu.memref_slice %arg4[%mul3A_639] : memref<65536xf32, #tpu.memory_space<vmem>> -> memref<128xf32, #tpu.memory_space<vmem>>
      %gather3A_659 = tpu.vector_load_idx %gather3A_658[%add3A_120] masked %ge3A_78 : memref<128xf32, #tpu.memory_space<vmem>>[vector<16xi32>], vector<16xf32>, vector<16xi1>
      %abs3A_660 = math.absf %gather3A_659 : vector<16xf32>
      %gather3A_661 = tpu.memref_slice %arg4[%mul3A_639] : memref<65536xf32, #tpu.memory_space<vmem>> -> memref<128xf32, #tpu.memory_space<vmem>>
      %gather3A_662 = tpu.vector_load_idx %gather3A_661[%add3A_126] masked %ge3A_78 : memref<128xf32, #tpu.memory_space<vmem>>[vector<16xi32>], vector<16xf32>, vector<16xi1>
      %abs3A_663 = math.absf %gather3A_662 : vector<16xf32>
      %reshape3A_664 = vector.shape_cast %and3A_65 : vector<16xi32> to vector<16x1xi32>
      %gather3A_665 = vector.shape_cast %reshape3A_664 : vector<16x1xi32> to vector<16xi32>
      %gather3A_666 = tpu.dynamic_gather %scan3A_627[%gather3A_665] in [0] : vector<16xf32>, vector<16xi32> -> vector<16xf32>
      %select_n3A_667 = arith.select %eq3A_73, %broadcast_in_dim3A_60, %gather3A_666 : vector<16xi1>, vector<16xf32>
      %reshape3A_668 = vector.shape_cast %and3A_71 : vector<16xi32> to vector<16x1xi32>
      %gather3A_669 = vector.shape_cast %reshape3A_668 : vector<16x1xi32> to vector<16xi32>
      %gather3A_670 = tpu.dynamic_gather %scan3A_620[%gather3A_669] in [0] : vector<16xf32>, vector<16xi32> -> vector<16xf32>
      %select_n3A_671 = arith.select %eq3A_76, %broadcast_in_dim3A_60, %gather3A_670 : vector<16xi1>, vector<16xf32>
      %min3A_672 = arith.minimumf %select_n3A_667, %scan3A_620 : vector<16xf32>
      %min3A_673 = arith.minimumf %min3A_672, %scan3A_621 : vector<16xf32>
      %add3A_674 = arith.addf %abs3A_642, %min3A_673 : vector<16xf32>
      %min3A_675 = arith.minimumf %scan3A_620, %scan3A_621 : vector<16xf32>
      %min3A_676 = arith.minimumf %min3A_675, %scan3A_622 : vector<16xf32>
      %add3A_677 = arith.addf %abs3A_645, %min3A_676 : vector<16xf32>
      %min3A_678 = arith.minimumf %scan3A_621, %scan3A_622 : vector<16xf32>
      %min3A_679 = arith.minimumf %min3A_678, %scan3A_623 : vector<16xf32>
      %add3A_680 = arith.addf %abs3A_648, %min3A_679 : vector<16xf32>
      %min3A_681 = arith.minimumf %scan3A_622, %scan3A_623 : vector<16xf32>
      %min3A_682 = arith.minimumf %min3A_681, %scan3A_624 : vector<16xf32>
      %add3A_683 = arith.addf %abs3A_651, %min3A_682 : vector<16xf32>
      %min3A_684 = arith.minimumf %scan3A_623, %scan3A_624 : vector<16xf32>
      %min3A_685 = arith.minimumf %min3A_684, %scan3A_625 : vector<16xf32>
      %add3A_686 = arith.addf %abs3A_654, %min3A_685 : vector<16xf32>
      %min3A_687 = arith.minimumf %scan3A_624, %scan3A_625 : vector<16xf32>
      %min3A_688 = arith.minimumf %min3A_687, %scan3A_626 : vector<16xf32>
      %add3A_689 = arith.addf %abs3A_657, %min3A_688 : vector<16xf32>
      %min3A_690 = arith.minimumf %scan3A_625, %scan3A_626 : vector<16xf32>
      %min3A_691 = arith.minimumf %min3A_690, %scan3A_627 : vector<16xf32>
      %add3A_692 = arith.addf %abs3A_660, %min3A_691 : vector<16xf32>
      %min3A_693 = arith.minimumf %scan3A_626, %scan3A_627 : vector<16xf32>
      %min3A_694 = arith.minimumf %min3A_693, %select_n3A_671 : vector<16xf32>
      %add3A_695 = arith.addf %abs3A_663, %min3A_694 : vector<16xf32>
      %add3A_696 = arith.constant 128 : i32
      %add3A_697 = arith.addi %add3A_696, %add3A_631 : i32
      %mul3A_698 = arith.constant 128 : i32
      %mul3A_699 = arith.muli %add3A_697, %mul3A_698 : i32
      %gather3A_700 = tpu.memref_slice %arg4[%mul3A_699] : memref<65536xf32, #tpu.memory_space<vmem>> -> memref<128xf32, #tpu.memory_space<vmem>>
      %gather3A_701 = tpu.vector_load_idx %gather3A_700[%add3A_84] masked %ge3A_78 : memref<128xf32, #tpu.memory_space<vmem>>[vector<16xi32>], vector<16xf32>, vector<16xi1>
      %abs3A_702 = math.absf %gather3A_701 : vector<16xf32>
      %gather3A_703 = tpu.memref_slice %arg4[%mul3A_699] : memref<65536xf32, #tpu.memory_space<vmem>> -> memref<128xf32, #tpu.memory_space<vmem>>
      %gather3A_704 = tpu.vector_load_idx %gather3A_703[%add3A_90] masked %ge3A_78 : memref<128xf32, #tpu.memory_space<vmem>>[vector<16xi32>], vector<16xf32>, vector<16xi1>
      %abs3A_705 = math.absf %gather3A_704 : vector<16xf32>
      %gather3A_706 = tpu.memref_slice %arg4[%mul3A_699] : memref<65536xf32, #tpu.memory_space<vmem>> -> memref<128xf32, #tpu.memory_space<vmem>>
      %gather3A_707 = tpu.vector_load_idx %gather3A_706[%add3A_96] masked %ge3A_78 : memref<128xf32, #tpu.memory_space<vmem>>[vector<16xi32>], vector<16xf32>, vector<16xi1>
      %abs3A_708 = math.absf %gather3A_707 : vector<16xf32>
      %gather3A_709 = tpu.memref_slice %arg4[%mul3A_699] : memref<65536xf32, #tpu.memory_space<vmem>> -> memref<128xf32, #tpu.memory_space<vmem>>
      %gather3A_710 = tpu.vector_load_idx %gather3A_709[%add3A_102] masked %ge3A_78 : memref<128xf32, #tpu.memory_space<vmem>>[vector<16xi32>], vector<16xf32>, vector<16xi1>
      %abs3A_711 = math.absf %gather3A_710 : vector<16xf32>
      %gather3A_712 = tpu.memref_slice %arg4[%mul3A_699] : memref<65536xf32, #tpu.memory_space<vmem>> -> memref<128xf32, #tpu.memory_space<vmem>>
      %gather3A_713 = tpu.vector_load_idx %gather3A_712[%add3A_108] masked %ge3A_78 : memref<128xf32, #tpu.memory_space<vmem>>[vector<16xi32>], vector<16xf32>, vector<16xi1>
      %abs3A_714 = math.absf %gather3A_713 : vector<16xf32>
      %gather3A_715 = tpu.memref_slice %arg4[%mul3A_699] : memref<65536xf32, #tpu.memory_space<vmem>> -> memref<128xf32, #tpu.memory_space<vmem>>
      %gather3A_716 = tpu.vector_load_idx %gather3A_715[%add3A_114] masked %ge3A_78 : memref<128xf32, #tpu.memory_space<vmem>>[vector<16xi32>], vector<16xf32>, vector<16xi1>
      %abs3A_717 = math.absf %gather3A_716 : vector<16xf32>
      %gather3A_718 = tpu.memref_slice %arg4[%mul3A_699] : memref<65536xf32, #tpu.memory_space<vmem>> -> memref<128xf32, #tpu.memory_space<vmem>>
      %gather3A_719 = tpu.vector_load_idx %gather3A_718[%add3A_120] masked %ge3A_78 : memref<128xf32, #tpu.memory_space<vmem>>[vector<16xi32>], vector<16xf32>, vector<16xi1>
      %abs3A_720 = math.absf %gather3A_719 : vector<16xf32>
      %gather3A_721 = tpu.memref_slice %arg4[%mul3A_699] : memref<65536xf32, #tpu.memory_space<vmem>> -> memref<128xf32, #tpu.memory_space<vmem>>
      %gather3A_722 = tpu.vector_load_idx %gather3A_721[%add3A_126] masked %ge3A_78 : memref<128xf32, #tpu.memory_space<vmem>>[vector<16xi32>], vector<16xf32>, vector<16xi1>
      %abs3A_723 = math.absf %gather3A_722 : vector<16xf32>
      %reshape3A_724 = vector.shape_cast %and3A_65 : vector<16xi32> to vector<16x1xi32>
      %gather3A_725 = vector.shape_cast %reshape3A_724 : vector<16x1xi32> to vector<16xi32>
      %gather3A_726 = tpu.dynamic_gather %add3A_695[%gather3A_725] in [0] : vector<16xf32>, vector<16xi32> -> vector<16xf32>
      %select_n3A_727 = arith.select %eq3A_73, %broadcast_in_dim3A_60, %gather3A_726 : vector<16xi1>, vector<16xf32>
      %reshape3A_728 = vector.shape_cast %and3A_71 : vector<16xi32> to vector<16x1xi32>
      %gather3A_729 = vector.shape_cast %reshape3A_728 : vector<16x1xi32> to vector<16xi32>
      %gather3A_730 = tpu.dynamic_gather %add3A_674[%gather3A_729] in [0] : vector<16xf32>, vector<16xi32> -> vector<16xf32>
      %select_n3A_731 = arith.select %eq3A_76, %broadcast_in_dim3A_60, %gather3A_730 : vector<16xi1>, vector<16xf32>
      %min3A_732 = arith.minimumf %select_n3A_727, %add3A_674 : vector<16xf32>
      %min3A_733 = arith.minimumf %min3A_732, %add3A_677 : vector<16xf32>
      %add3A_734 = arith.addf %abs3A_702, %min3A_733 : vector<16xf32>
      %min3A_735 = arith.minimumf %add3A_674, %add3A_677 : vector<16xf32>
      %min3A_736 = arith.minimumf %min3A_735, %add3A_680 : vector<16xf32>
      %add3A_737 = arith.addf %abs3A_705, %min3A_736 : vector<16xf32>
      %min3A_738 = arith.minimumf %add3A_677, %add3A_680 : vector<16xf32>
      %min3A_739 = arith.minimumf %min3A_738, %add3A_683 : vector<16xf32>
      %add3A_740 = arith.addf %abs3A_708, %min3A_739 : vector<16xf32>
      %min3A_741 = arith.minimumf %add3A_680, %add3A_683 : vector<16xf32>
      %min3A_742 = arith.minimumf %min3A_741, %add3A_686 : vector<16xf32>
      %add3A_743 = arith.addf %abs3A_711, %min3A_742 : vector<16xf32>
      %min3A_744 = arith.minimumf %add3A_683, %add3A_686 : vector<16xf32>
      %min3A_745 = arith.minimumf %min3A_744, %add3A_689 : vector<16xf32>
      %add3A_746 = arith.addf %abs3A_714, %min3A_745 : vector<16xf32>
      %min3A_747 = arith.minimumf %add3A_686, %add3A_689 : vector<16xf32>
      %min3A_748 = arith.minimumf %min3A_747, %add3A_692 : vector<16xf32>
      %add3A_749 = arith.addf %abs3A_717, %min3A_748 : vector<16xf32>
      %min3A_750 = arith.minimumf %add3A_689, %add3A_692 : vector<16xf32>
      %min3A_751 = arith.minimumf %min3A_750, %add3A_695 : vector<16xf32>
      %add3A_752 = arith.addf %abs3A_720, %min3A_751 : vector<16xf32>
      %min3A_753 = arith.minimumf %add3A_692, %add3A_695 : vector<16xf32>
      %min3A_754 = arith.minimumf %min3A_753, %select_n3A_731 : vector<16xf32>
      %add3A_755 = arith.addf %abs3A_723, %min3A_754 : vector<16xf32>
      scf.yield %add3A_734, %add3A_737, %add3A_740, %add3A_743, %add3A_746, %add3A_749, %add3A_752, %add3A_755 : vector<16xf32>, vector<16xf32>, vector<16xf32>, vector<16xf32>, vector<16xf32>, vector<16xf32>, vector<16xf32>, vector<16xf32>
    }
    %scan3A_290 = arith.constant 63 : i32
    %gather3A_291 = arith.constant 32640 : i32
    %gather3A_292 = tpu.memref_slice %arg4[%gather3A_291] : memref<65536xf32, #tpu.memory_space<vmem>> -> memref<128xf32, #tpu.memory_space<vmem>>
    %gather3A_293 = tpu.vector_load_idx %gather3A_292[%add3A_84] masked %ge3A_78 : memref<128xf32, #tpu.memory_space<vmem>>[vector<16xi32>], vector<16xf32>, vector<16xi1>
    %abs3A_294 = math.absf %gather3A_293 : vector<16xf32>
    %gather3A_295 = arith.constant 32640 : i32
    %gather3A_296 = tpu.memref_slice %arg4[%gather3A_295] : memref<65536xf32, #tpu.memory_space<vmem>> -> memref<128xf32, #tpu.memory_space<vmem>>
    %gather3A_297 = tpu.vector_load_idx %gather3A_296[%add3A_90] masked %ge3A_78 : memref<128xf32, #tpu.memory_space<vmem>>[vector<16xi32>], vector<16xf32>, vector<16xi1>
    %abs3A_298 = math.absf %gather3A_297 : vector<16xf32>
    %gather3A_299 = arith.constant 32640 : i32
    %gather3A_300 = tpu.memref_slice %arg4[%gather3A_299] : memref<65536xf32, #tpu.memory_space<vmem>> -> memref<128xf32, #tpu.memory_space<vmem>>
    %gather3A_301 = tpu.vector_load_idx %gather3A_300[%add3A_96] masked %ge3A_78 : memref<128xf32, #tpu.memory_space<vmem>>[vector<16xi32>], vector<16xf32>, vector<16xi1>
    %abs3A_302 = math.absf %gather3A_301 : vector<16xf32>
    %gather3A_303 = arith.constant 32640 : i32
    %gather3A_304 = tpu.memref_slice %arg4[%gather3A_303] : memref<65536xf32, #tpu.memory_space<vmem>> -> memref<128xf32, #tpu.memory_space<vmem>>
    %gather3A_305 = tpu.vector_load_idx %gather3A_304[%add3A_102] masked %ge3A_78 : memref<128xf32, #tpu.memory_space<vmem>>[vector<16xi32>], vector<16xf32>, vector<16xi1>
    %abs3A_306 = math.absf %gather3A_305 : vector<16xf32>
    %gather3A_307 = arith.constant 32640 : i32
    %gather3A_308 = tpu.memref_slice %arg4[%gather3A_307] : memref<65536xf32, #tpu.memory_space<vmem>> -> memref<128xf32, #tpu.memory_space<vmem>>
    %gather3A_309 = tpu.vector_load_idx %gather3A_308[%add3A_108] masked %ge3A_78 : memref<128xf32, #tpu.memory_space<vmem>>[vector<16xi32>], vector<16xf32>, vector<16xi1>
    %abs3A_310 = math.absf %gather3A_309 : vector<16xf32>
    %gather3A_311 = arith.constant 32640 : i32
    %gather3A_312 = tpu.memref_slice %arg4[%gather3A_311] : memref<65536xf32, #tpu.memory_space<vmem>> -> memref<128xf32, #tpu.memory_space<vmem>>
    %gather3A_313 = tpu.vector_load_idx %gather3A_312[%add3A_114] masked %ge3A_78 : memref<128xf32, #tpu.memory_space<vmem>>[vector<16xi32>], vector<16xf32>, vector<16xi1>
    %abs3A_314 = math.absf %gather3A_313 : vector<16xf32>
    %gather3A_315 = arith.constant 32640 : i32
    %gather3A_316 = tpu.memref_slice %arg4[%gather3A_315] : memref<65536xf32, #tpu.memory_space<vmem>> -> memref<128xf32, #tpu.memory_space<vmem>>
    %gather3A_317 = tpu.vector_load_idx %gather3A_316[%add3A_120] masked %ge3A_78 : memref<128xf32, #tpu.memory_space<vmem>>[vector<16xi32>], vector<16xf32>, vector<16xi1>
    %abs3A_318 = math.absf %gather3A_317 : vector<16xf32>
    %gather3A_319 = arith.constant 32640 : i32
    %gather3A_320 = tpu.memref_slice %arg4[%gather3A_319] : memref<65536xf32, #tpu.memory_space<vmem>> -> memref<128xf32, #tpu.memory_space<vmem>>
    %gather3A_321 = tpu.vector_load_idx %gather3A_320[%add3A_126] masked %ge3A_78 : memref<128xf32, #tpu.memory_space<vmem>>[vector<16xi32>], vector<16xf32>, vector<16xi1>
    %abs3A_322 = math.absf %gather3A_321 : vector<16xf32>
    %reshape3A_323 = vector.shape_cast %and3A_65 : vector<16xi32> to vector<16x1xi32>
    %gather3A_324 = vector.shape_cast %reshape3A_323 : vector<16x1xi32> to vector<16xi32>
    %gather3A_325 = tpu.dynamic_gather %scan3A_289#7[%gather3A_324] in [0] : vector<16xf32>, vector<16xi32> -> vector<16xf32>
    %select_n3A_326 = arith.select %eq3A_73, %broadcast_in_dim3A_60, %gather3A_325 : vector<16xi1>, vector<16xf32>
    %reshape3A_327 = vector.shape_cast %and3A_71 : vector<16xi32> to vector<16x1xi32>
    %gather3A_328 = vector.shape_cast %reshape3A_327 : vector<16x1xi32> to vector<16xi32>
    %gather3A_329 = tpu.dynamic_gather %scan3A_289#0[%gather3A_328] in [0] : vector<16xf32>, vector<16xi32> -> vector<16xf32>
    %select_n3A_330 = arith.select %eq3A_76, %broadcast_in_dim3A_60, %gather3A_329 : vector<16xi1>, vector<16xf32>
    %min3A_331 = arith.minimumf %select_n3A_326, %scan3A_289#0 : vector<16xf32>
    %min3A_332 = arith.minimumf %min3A_331, %scan3A_289#1 : vector<16xf32>
    %add3A_333 = arith.addf %abs3A_294, %min3A_332 : vector<16xf32>
    %min3A_334 = arith.minimumf %scan3A_289#0, %scan3A_289#1 : vector<16xf32>
    %min3A_335 = arith.minimumf %min3A_334, %scan3A_289#2 : vector<16xf32>
    %add3A_336 = arith.addf %abs3A_298, %min3A_335 : vector<16xf32>
    %min3A_337 = arith.minimumf %scan3A_289#1, %scan3A_289#2 : vector<16xf32>
    %min3A_338 = arith.minimumf %min3A_337, %scan3A_289#3 : vector<16xf32>
    %add3A_339 = arith.addf %abs3A_302, %min3A_338 : vector<16xf32>
    %min3A_340 = arith.minimumf %scan3A_289#2, %scan3A_289#3 : vector<16xf32>
    %min3A_341 = arith.minimumf %min3A_340, %scan3A_289#4 : vector<16xf32>
    %add3A_342 = arith.addf %abs3A_306, %min3A_341 : vector<16xf32>
    %min3A_343 = arith.minimumf %scan3A_289#3, %scan3A_289#4 : vector<16xf32>
    %min3A_344 = arith.minimumf %min3A_343, %scan3A_289#5 : vector<16xf32>
    %add3A_345 = arith.addf %abs3A_310, %min3A_344 : vector<16xf32>
    %min3A_346 = arith.minimumf %scan3A_289#4, %scan3A_289#5 : vector<16xf32>
    %min3A_347 = arith.minimumf %min3A_346, %scan3A_289#6 : vector<16xf32>
    %add3A_348 = arith.addf %abs3A_314, %min3A_347 : vector<16xf32>
    %min3A_349 = arith.minimumf %scan3A_289#5, %scan3A_289#6 : vector<16xf32>
    %min3A_350 = arith.minimumf %min3A_349, %scan3A_289#7 : vector<16xf32>
    %add3A_351 = arith.addf %abs3A_318, %min3A_350 : vector<16xf32>
    %min3A_352 = arith.minimumf %scan3A_289#6, %scan3A_289#7 : vector<16xf32>
    %min3A_353 = arith.minimumf %min3A_352, %select_n3A_330 : vector<16xf32>
    %add3A_354 = arith.addf %abs3A_322, %min3A_353 : vector<16xf32>
    %min3A_355 = arith.minimumf %add3A_333, %add3A_336 : vector<16xf32>
    %min3A_356 = arith.minimumf %min3A_355, %add3A_339 : vector<16xf32>
    %min3A_357 = arith.minimumf %min3A_356, %add3A_342 : vector<16xf32>
    %min3A_358 = arith.minimumf %min3A_357, %add3A_345 : vector<16xf32>
    %min3A_359 = arith.minimumf %min3A_358, %add3A_348 : vector<16xf32>
    %min3A_360 = arith.minimumf %min3A_359, %add3A_351 : vector<16xf32>
    %min3A_361 = arith.minimumf %min3A_360, %add3A_354 : vector<16xf32>
    %reduce_min3A_362 = arith.constant true
    %reduce_min3A_363 = vector.broadcast %reduce_min3A_362 : i1 to vector<16xi1>
    %reduce_min3A_364 = tpu.scan <min>, %min3A_361 masked %reduce_min3A_363 : vector<16xf32>, vector<16xi1> -> vector<16xf32>
    %reduce_min3A_365 = vector.extract %reduce_min3A_364[15] : f32 from vector<16xf32>
    %broadcast_in_dim3A_366 = vector.broadcast %reduce_min3A_365 : f32 to vector<16xf32>
    %broadcast_in_dim3A_367 = arith.constant 1 : i32
    %broadcast_in_dim3A_368 = vector.broadcast %broadcast_in_dim3A_367 : i32 to vector<16xi32>
    tpu.vector_store_idx %arg5[%broadcast_in_dim3A_368], %broadcast_in_dim3A_366 masked %eq3A_73 : memref<4xf32, #tpu.memory_space<vmem>>[vector<16xi32>], vector<16xf32>, vector<16xi1>
    %dma_wait3A_369 = arith.constant 2 : i32
    %dma_wait3A_370 = arith.constant 32768 : i32
    %dma_wait3A_371 = tpu.memref_slice %arg4[%dma_wait3A_370] : memref<65536xf32, #tpu.memory_space<vmem>> -> memref<16384xf32, #tpu.memory_space<vmem>>
    %dma_wait3A_372 = tpu.memref_slice %arg2[%mul3A_35] : memref<2097152xf32, #tpu.memory_space<hbm>> -> memref<16384xf32, #tpu.memory_space<hbm>>
    %dma_wait3A_373 = tpu.memref_slice %arg6[%dma_wait3A_369] : memref<4x!tpu.dma_semaphore, #tpu.memory_space<semaphore_mem>> -> memref<1x!tpu.dma_semaphore, #tpu.memory_space<semaphore_mem>>
    %dma_wait3A_374 = tpu.memref_squeeze %dma_wait3A_373 : memref<1x!tpu.dma_semaphore, #tpu.memory_space<semaphore_mem>> -> memref<!tpu.dma_semaphore, #tpu.memory_space<semaphore_mem>>
    %dma_wait3A_375 = arith.constant 32768 : i32
    %dma_wait3A_376 = tpu.memref_slice %arg4[%dma_wait3A_375] : memref<65536xf32, #tpu.memory_space<vmem>> -> memref<16384xf32, #tpu.memory_space<vmem>>
    %dma_wait3A_377 = tpu.memref_slice %arg2[%mul3A_35] : memref<2097152xf32, #tpu.memory_space<hbm>> -> memref<16384xf32, #tpu.memory_space<hbm>>
    tpu.wait_dma2 semaphore(%dma_wait3A_374 : memref<!tpu.dma_semaphore, #tpu.memory_space<semaphore_mem>>) src(%dma_wait3A_377 : memref<16384xf32, #tpu.memory_space<hbm>>) dst(%dma_wait3A_376 : memref<16384xf32, #tpu.memory_space<vmem>>)
    %gather3A_378 = arith.constant 32768 : i32
    %gather3A_379 = tpu.memref_slice %arg4[%gather3A_378] : memref<65536xf32, #tpu.memory_space<vmem>> -> memref<128xf32, #tpu.memory_space<vmem>>
    %gather3A_380 = tpu.vector_load_idx %gather3A_379[%add3A_84] masked %ge3A_78 : memref<128xf32, #tpu.memory_space<vmem>>[vector<16xi32>], vector<16xf32>, vector<16xi1>
    %abs3A_381 = math.absf %gather3A_380 : vector<16xf32>
    %gather3A_382 = arith.constant 32768 : i32
    %gather3A_383 = tpu.memref_slice %arg4[%gather3A_382] : memref<65536xf32, #tpu.memory_space<vmem>> -> memref<128xf32, #tpu.memory_space<vmem>>
    %gather3A_384 = tpu.vector_load_idx %gather3A_383[%add3A_90] masked %ge3A_78 : memref<128xf32, #tpu.memory_space<vmem>>[vector<16xi32>], vector<16xf32>, vector<16xi1>
    %abs3A_385 = math.absf %gather3A_384 : vector<16xf32>
    %gather3A_386 = arith.constant 32768 : i32
    %gather3A_387 = tpu.memref_slice %arg4[%gather3A_386] : memref<65536xf32, #tpu.memory_space<vmem>> -> memref<128xf32, #tpu.memory_space<vmem>>
    %gather3A_388 = tpu.vector_load_idx %gather3A_387[%add3A_96] masked %ge3A_78 : memref<128xf32, #tpu.memory_space<vmem>>[vector<16xi32>], vector<16xf32>, vector<16xi1>
    %abs3A_389 = math.absf %gather3A_388 : vector<16xf32>
    %gather3A_390 = arith.constant 32768 : i32
    %gather3A_391 = tpu.memref_slice %arg4[%gather3A_390] : memref<65536xf32, #tpu.memory_space<vmem>> -> memref<128xf32, #tpu.memory_space<vmem>>
    %gather3A_392 = tpu.vector_load_idx %gather3A_391[%add3A_102] masked %ge3A_78 : memref<128xf32, #tpu.memory_space<vmem>>[vector<16xi32>], vector<16xf32>, vector<16xi1>
    %abs3A_393 = math.absf %gather3A_392 : vector<16xf32>
    %gather3A_394 = arith.constant 32768 : i32
    %gather3A_395 = tpu.memref_slice %arg4[%gather3A_394] : memref<65536xf32, #tpu.memory_space<vmem>> -> memref<128xf32, #tpu.memory_space<vmem>>
    %gather3A_396 = tpu.vector_load_idx %gather3A_395[%add3A_108] masked %ge3A_78 : memref<128xf32, #tpu.memory_space<vmem>>[vector<16xi32>], vector<16xf32>, vector<16xi1>
    %abs3A_397 = math.absf %gather3A_396 : vector<16xf32>
    %gather3A_398 = arith.constant 32768 : i32
    %gather3A_399 = tpu.memref_slice %arg4[%gather3A_398] : memref<65536xf32, #tpu.memory_space<vmem>> -> memref<128xf32, #tpu.memory_space<vmem>>
    %gather3A_400 = tpu.vector_load_idx %gather3A_399[%add3A_114] masked %ge3A_78 : memref<128xf32, #tpu.memory_space<vmem>>[vector<16xi32>], vector<16xf32>, vector<16xi1>
    %abs3A_401 = math.absf %gather3A_400 : vector<16xf32>
    %gather3A_402 = arith.constant 32768 : i32
    %gather3A_403 = tpu.memref_slice %arg4[%gather3A_402] : memref<65536xf32, #tpu.memory_space<vmem>> -> memref<128xf32, #tpu.memory_space<vmem>>
    %gather3A_404 = tpu.vector_load_idx %gather3A_403[%add3A_120] masked %ge3A_78 : memref<128xf32, #tpu.memory_space<vmem>>[vector<16xi32>], vector<16xf32>, vector<16xi1>
    %abs3A_405 = math.absf %gather3A_404 : vector<16xf32>
    %gather3A_406 = arith.constant 32768 : i32
    %gather3A_407 = tpu.memref_slice %arg4[%gather3A_406] : memref<65536xf32, #tpu.memory_space<vmem>> -> memref<128xf32, #tpu.memory_space<vmem>>
    %gather3A_408 = tpu.vector_load_idx %gather3A_407[%add3A_126] masked %ge3A_78 : memref<128xf32, #tpu.memory_space<vmem>>[vector<16xi32>], vector<16xf32>, vector<16xi1>
    %abs3A_409 = math.absf %gather3A_408 : vector<16xf32>
    %scan3A_410 = arith.constant 0 : i32
    %scan3A_411 = arith.constant 63 : i32
    %scan3A_412 = arith.addi %scan3A_410, %scan3A_411 : i32
    %scan3A_413 = arith.constant 1 : i32
    %scan3A_414:8 = scf.for %scan3A_619 = %scan3A_410 to %scan3A_412 step %scan3A_413 iter_args(%scan3A_620 = %abs3A_381, %scan3A_621 = %abs3A_385, %scan3A_622 = %abs3A_389, %scan3A_623 = %abs3A_393, %scan3A_624 = %abs3A_397, %scan3A_625 = %abs3A_401, %scan3A_626 = %abs3A_405, %scan3A_627 = %abs3A_409) -> (vector<16xf32>, vector<16xf32>, vector<16xf32>, vector<16xf32>, vector<16xf32>, vector<16xf32>, vector<16xf32>, vector<16xf32>)  : i32 {
      %mul3A_628 = arith.constant 2 : i32
      %mul3A_629 = arith.muli %mul3A_628, %scan3A_619 : i32
      %add3A_630 = arith.constant 2 : i32
      %add3A_631 = arith.addi %mul3A_629, %add3A_630 : i32
      %mul3A_632 = arith.constant 2 : i32
      %mul3A_633 = arith.muli %mul3A_632, %scan3A_619 : i32
      %add3A_634 = arith.constant 1 : i32
      %add3A_635 = arith.addi %mul3A_633, %add3A_634 : i32
      %add3A_636 = arith.constant 256 : i32
      %add3A_637 = arith.addi %add3A_636, %add3A_635 : i32
      %mul3A_638 = arith.constant 128 : i32
      %mul3A_639 = arith.muli %add3A_637, %mul3A_638 : i32
      %gather3A_640 = tpu.memref_slice %arg4[%mul3A_639] : memref<65536xf32, #tpu.memory_space<vmem>> -> memref<128xf32, #tpu.memory_space<vmem>>
      %gather3A_641 = tpu.vector_load_idx %gather3A_640[%add3A_84] masked %ge3A_78 : memref<128xf32, #tpu.memory_space<vmem>>[vector<16xi32>], vector<16xf32>, vector<16xi1>
      %abs3A_642 = math.absf %gather3A_641 : vector<16xf32>
      %gather3A_643 = tpu.memref_slice %arg4[%mul3A_639] : memref<65536xf32, #tpu.memory_space<vmem>> -> memref<128xf32, #tpu.memory_space<vmem>>
      %gather3A_644 = tpu.vector_load_idx %gather3A_643[%add3A_90] masked %ge3A_78 : memref<128xf32, #tpu.memory_space<vmem>>[vector<16xi32>], vector<16xf32>, vector<16xi1>
      %abs3A_645 = math.absf %gather3A_644 : vector<16xf32>
      %gather3A_646 = tpu.memref_slice %arg4[%mul3A_639] : memref<65536xf32, #tpu.memory_space<vmem>> -> memref<128xf32, #tpu.memory_space<vmem>>
      %gather3A_647 = tpu.vector_load_idx %gather3A_646[%add3A_96] masked %ge3A_78 : memref<128xf32, #tpu.memory_space<vmem>>[vector<16xi32>], vector<16xf32>, vector<16xi1>
      %abs3A_648 = math.absf %gather3A_647 : vector<16xf32>
      %gather3A_649 = tpu.memref_slice %arg4[%mul3A_639] : memref<65536xf32, #tpu.memory_space<vmem>> -> memref<128xf32, #tpu.memory_space<vmem>>
      %gather3A_650 = tpu.vector_load_idx %gather3A_649[%add3A_102] masked %ge3A_78 : memref<128xf32, #tpu.memory_space<vmem>>[vector<16xi32>], vector<16xf32>, vector<16xi1>
      %abs3A_651 = math.absf %gather3A_650 : vector<16xf32>
      %gather3A_652 = tpu.memref_slice %arg4[%mul3A_639] : memref<65536xf32, #tpu.memory_space<vmem>> -> memref<128xf32, #tpu.memory_space<vmem>>
      %gather3A_653 = tpu.vector_load_idx %gather3A_652[%add3A_108] masked %ge3A_78 : memref<128xf32, #tpu.memory_space<vmem>>[vector<16xi32>], vector<16xf32>, vector<16xi1>
      %abs3A_654 = math.absf %gather3A_653 : vector<16xf32>
      %gather3A_655 = tpu.memref_slice %arg4[%mul3A_639] : memref<65536xf32, #tpu.memory_space<vmem>> -> memref<128xf32, #tpu.memory_space<vmem>>
      %gather3A_656 = tpu.vector_load_idx %gather3A_655[%add3A_114] masked %ge3A_78 : memref<128xf32, #tpu.memory_space<vmem>>[vector<16xi32>], vector<16xf32>, vector<16xi1>
      %abs3A_657 = math.absf %gather3A_656 : vector<16xf32>
      %gather3A_658 = tpu.memref_slice %arg4[%mul3A_639] : memref<65536xf32, #tpu.memory_space<vmem>> -> memref<128xf32, #tpu.memory_space<vmem>>
      %gather3A_659 = tpu.vector_load_idx %gather3A_658[%add3A_120] masked %ge3A_78 : memref<128xf32, #tpu.memory_space<vmem>>[vector<16xi32>], vector<16xf32>, vector<16xi1>
      %abs3A_660 = math.absf %gather3A_659 : vector<16xf32>
      %gather3A_661 = tpu.memref_slice %arg4[%mul3A_639] : memref<65536xf32, #tpu.memory_space<vmem>> -> memref<128xf32, #tpu.memory_space<vmem>>
      %gather3A_662 = tpu.vector_load_idx %gather3A_661[%add3A_126] masked %ge3A_78 : memref<128xf32, #tpu.memory_space<vmem>>[vector<16xi32>], vector<16xf32>, vector<16xi1>
      %abs3A_663 = math.absf %gather3A_662 : vector<16xf32>
      %reshape3A_664 = vector.shape_cast %and3A_65 : vector<16xi32> to vector<16x1xi32>
      %gather3A_665 = vector.shape_cast %reshape3A_664 : vector<16x1xi32> to vector<16xi32>
      %gather3A_666 = tpu.dynamic_gather %scan3A_627[%gather3A_665] in [0] : vector<16xf32>, vector<16xi32> -> vector<16xf32>
      %select_n3A_667 = arith.select %eq3A_73, %broadcast_in_dim3A_60, %gather3A_666 : vector<16xi1>, vector<16xf32>
      %reshape3A_668 = vector.shape_cast %and3A_71 : vector<16xi32> to vector<16x1xi32>
      %gather3A_669 = vector.shape_cast %reshape3A_668 : vector<16x1xi32> to vector<16xi32>
      %gather3A_670 = tpu.dynamic_gather %scan3A_620[%gather3A_669] in [0] : vector<16xf32>, vector<16xi32> -> vector<16xf32>
      %select_n3A_671 = arith.select %eq3A_76, %broadcast_in_dim3A_60, %gather3A_670 : vector<16xi1>, vector<16xf32>
      %min3A_672 = arith.minimumf %select_n3A_667, %scan3A_620 : vector<16xf32>
      %min3A_673 = arith.minimumf %min3A_672, %scan3A_621 : vector<16xf32>
      %add3A_674 = arith.addf %abs3A_642, %min3A_673 : vector<16xf32>
      %min3A_675 = arith.minimumf %scan3A_620, %scan3A_621 : vector<16xf32>
      %min3A_676 = arith.minimumf %min3A_675, %scan3A_622 : vector<16xf32>
      %add3A_677 = arith.addf %abs3A_645, %min3A_676 : vector<16xf32>
      %min3A_678 = arith.minimumf %scan3A_621, %scan3A_622 : vector<16xf32>
      %min3A_679 = arith.minimumf %min3A_678, %scan3A_623 : vector<16xf32>
      %add3A_680 = arith.addf %abs3A_648, %min3A_679 : vector<16xf32>
      %min3A_681 = arith.minimumf %scan3A_622, %scan3A_623 : vector<16xf32>
      %min3A_682 = arith.minimumf %min3A_681, %scan3A_624 : vector<16xf32>
      %add3A_683 = arith.addf %abs3A_651, %min3A_682 : vector<16xf32>
      %min3A_684 = arith.minimumf %scan3A_623, %scan3A_624 : vector<16xf32>
      %min3A_685 = arith.minimumf %min3A_684, %scan3A_625 : vector<16xf32>
      %add3A_686 = arith.addf %abs3A_654, %min3A_685 : vector<16xf32>
      %min3A_687 = arith.minimumf %scan3A_624, %scan3A_625 : vector<16xf32>
      %min3A_688 = arith.minimumf %min3A_687, %scan3A_626 : vector<16xf32>
      %add3A_689 = arith.addf %abs3A_657, %min3A_688 : vector<16xf32>
      %min3A_690 = arith.minimumf %scan3A_625, %scan3A_626 : vector<16xf32>
      %min3A_691 = arith.minimumf %min3A_690, %scan3A_627 : vector<16xf32>
      %add3A_692 = arith.addf %abs3A_660, %min3A_691 : vector<16xf32>
      %min3A_693 = arith.minimumf %scan3A_626, %scan3A_627 : vector<16xf32>
      %min3A_694 = arith.minimumf %min3A_693, %select_n3A_671 : vector<16xf32>
      %add3A_695 = arith.addf %abs3A_663, %min3A_694 : vector<16xf32>
      %add3A_696 = arith.constant 256 : i32
      %add3A_697 = arith.addi %add3A_696, %add3A_631 : i32
      %mul3A_698 = arith.constant 128 : i32
      %mul3A_699 = arith.muli %add3A_697, %mul3A_698 : i32
      %gather3A_700 = tpu.memref_slice %arg4[%mul3A_699] : memref<65536xf32, #tpu.memory_space<vmem>> -> memref<128xf32, #tpu.memory_space<vmem>>
      %gather3A_701 = tpu.vector_load_idx %gather3A_700[%add3A_84] masked %ge3A_78 : memref<128xf32, #tpu.memory_space<vmem>>[vector<16xi32>], vector<16xf32>, vector<16xi1>
      %abs3A_702 = math.absf %gather3A_701 : vector<16xf32>
      %gather3A_703 = tpu.memref_slice %arg4[%mul3A_699] : memref<65536xf32, #tpu.memory_space<vmem>> -> memref<128xf32, #tpu.memory_space<vmem>>
      %gather3A_704 = tpu.vector_load_idx %gather3A_703[%add3A_90] masked %ge3A_78 : memref<128xf32, #tpu.memory_space<vmem>>[vector<16xi32>], vector<16xf32>, vector<16xi1>
      %abs3A_705 = math.absf %gather3A_704 : vector<16xf32>
      %gather3A_706 = tpu.memref_slice %arg4[%mul3A_699] : memref<65536xf32, #tpu.memory_space<vmem>> -> memref<128xf32, #tpu.memory_space<vmem>>
      %gather3A_707 = tpu.vector_load_idx %gather3A_706[%add3A_96] masked %ge3A_78 : memref<128xf32, #tpu.memory_space<vmem>>[vector<16xi32>], vector<16xf32>, vector<16xi1>
      %abs3A_708 = math.absf %gather3A_707 : vector<16xf32>
      %gather3A_709 = tpu.memref_slice %arg4[%mul3A_699] : memref<65536xf32, #tpu.memory_space<vmem>> -> memref<128xf32, #tpu.memory_space<vmem>>
      %gather3A_710 = tpu.vector_load_idx %gather3A_709[%add3A_102] masked %ge3A_78 : memref<128xf32, #tpu.memory_space<vmem>>[vector<16xi32>], vector<16xf32>, vector<16xi1>
      %abs3A_711 = math.absf %gather3A_710 : vector<16xf32>
      %gather3A_712 = tpu.memref_slice %arg4[%mul3A_699] : memref<65536xf32, #tpu.memory_space<vmem>> -> memref<128xf32, #tpu.memory_space<vmem>>
      %gather3A_713 = tpu.vector_load_idx %gather3A_712[%add3A_108] masked %ge3A_78 : memref<128xf32, #tpu.memory_space<vmem>>[vector<16xi32>], vector<16xf32>, vector<16xi1>
      %abs3A_714 = math.absf %gather3A_713 : vector<16xf32>
      %gather3A_715 = tpu.memref_slice %arg4[%mul3A_699] : memref<65536xf32, #tpu.memory_space<vmem>> -> memref<128xf32, #tpu.memory_space<vmem>>
      %gather3A_716 = tpu.vector_load_idx %gather3A_715[%add3A_114] masked %ge3A_78 : memref<128xf32, #tpu.memory_space<vmem>>[vector<16xi32>], vector<16xf32>, vector<16xi1>
      %abs3A_717 = math.absf %gather3A_716 : vector<16xf32>
      %gather3A_718 = tpu.memref_slice %arg4[%mul3A_699] : memref<65536xf32, #tpu.memory_space<vmem>> -> memref<128xf32, #tpu.memory_space<vmem>>
      %gather3A_719 = tpu.vector_load_idx %gather3A_718[%add3A_120] masked %ge3A_78 : memref<128xf32, #tpu.memory_space<vmem>>[vector<16xi32>], vector<16xf32>, vector<16xi1>
      %abs3A_720 = math.absf %gather3A_719 : vector<16xf32>
      %gather3A_721 = tpu.memref_slice %arg4[%mul3A_699] : memref<65536xf32, #tpu.memory_space<vmem>> -> memref<128xf32, #tpu.memory_space<vmem>>
      %gather3A_722 = tpu.vector_load_idx %gather3A_721[%add3A_126] masked %ge3A_78 : memref<128xf32, #tpu.memory_space<vmem>>[vector<16xi32>], vector<16xf32>, vector<16xi1>
      %abs3A_723 = math.absf %gather3A_722 : vector<16xf32>
      %reshape3A_724 = vector.shape_cast %and3A_65 : vector<16xi32> to vector<16x1xi32>
      %gather3A_725 = vector.shape_cast %reshape3A_724 : vector<16x1xi32> to vector<16xi32>
      %gather3A_726 = tpu.dynamic_gather %add3A_695[%gather3A_725] in [0] : vector<16xf32>, vector<16xi32> -> vector<16xf32>
      %select_n3A_727 = arith.select %eq3A_73, %broadcast_in_dim3A_60, %gather3A_726 : vector<16xi1>, vector<16xf32>
      %reshape3A_728 = vector.shape_cast %and3A_71 : vector<16xi32> to vector<16x1xi32>
      %gather3A_729 = vector.shape_cast %reshape3A_728 : vector<16x1xi32> to vector<16xi32>
      %gather3A_730 = tpu.dynamic_gather %add3A_674[%gather3A_729] in [0] : vector<16xf32>, vector<16xi32> -> vector<16xf32>
      %select_n3A_731 = arith.select %eq3A_76, %broadcast_in_dim3A_60, %gather3A_730 : vector<16xi1>, vector<16xf32>
      %min3A_732 = arith.minimumf %select_n3A_727, %add3A_674 : vector<16xf32>
      %min3A_733 = arith.minimumf %min3A_732, %add3A_677 : vector<16xf32>
      %add3A_734 = arith.addf %abs3A_702, %min3A_733 : vector<16xf32>
      %min3A_735 = arith.minimumf %add3A_674, %add3A_677 : vector<16xf32>
      %min3A_736 = arith.minimumf %min3A_735, %add3A_680 : vector<16xf32>
      %add3A_737 = arith.addf %abs3A_705, %min3A_736 : vector<16xf32>
      %min3A_738 = arith.minimumf %add3A_677, %add3A_680 : vector<16xf32>
      %min3A_739 = arith.minimumf %min3A_738, %add3A_683 : vector<16xf32>
      %add3A_740 = arith.addf %abs3A_708, %min3A_739 : vector<16xf32>
      %min3A_741 = arith.minimumf %add3A_680, %add3A_683 : vector<16xf32>
      %min3A_742 = arith.minimumf %min3A_741, %add3A_686 : vector<16xf32>
      %add3A_743 = arith.addf %abs3A_711, %min3A_742 : vector<16xf32>
      %min3A_744 = arith.minimumf %add3A_683, %add3A_686 : vector<16xf32>
      %min3A_745 = arith.minimumf %min3A_744, %add3A_689 : vector<16xf32>
      %add3A_746 = arith.addf %abs3A_714, %min3A_745 : vector<16xf32>
      %min3A_747 = arith.minimumf %add3A_686, %add3A_689 : vector<16xf32>
      %min3A_748 = arith.minimumf %min3A_747, %add3A_692 : vector<16xf32>
      %add3A_749 = arith.addf %abs3A_717, %min3A_748 : vector<16xf32>
      %min3A_750 = arith.minimumf %add3A_689, %add3A_692 : vector<16xf32>
      %min3A_751 = arith.minimumf %min3A_750, %add3A_695 : vector<16xf32>
      %add3A_752 = arith.addf %abs3A_720, %min3A_751 : vector<16xf32>
      %min3A_753 = arith.minimumf %add3A_692, %add3A_695 : vector<16xf32>
      %min3A_754 = arith.minimumf %min3A_753, %select_n3A_731 : vector<16xf32>
      %add3A_755 = arith.addf %abs3A_723, %min3A_754 : vector<16xf32>
      scf.yield %add3A_734, %add3A_737, %add3A_740, %add3A_743, %add3A_746, %add3A_749, %add3A_752, %add3A_755 : vector<16xf32>, vector<16xf32>, vector<16xf32>, vector<16xf32>, vector<16xf32>, vector<16xf32>, vector<16xf32>, vector<16xf32>
    }
    %scan3A_415 = arith.constant 63 : i32
    %gather3A_416 = arith.constant 49024 : i32
    %gather3A_417 = tpu.memref_slice %arg4[%gather3A_416] : memref<65536xf32, #tpu.memory_space<vmem>> -> memref<128xf32, #tpu.memory_space<vmem>>
    %gather3A_418 = tpu.vector_load_idx %gather3A_417[%add3A_84] masked %ge3A_78 : memref<128xf32, #tpu.memory_space<vmem>>[vector<16xi32>], vector<16xf32>, vector<16xi1>
    %abs3A_419 = math.absf %gather3A_418 : vector<16xf32>
    %gather3A_420 = arith.constant 49024 : i32
    %gather3A_421 = tpu.memref_slice %arg4[%gather3A_420] : memref<65536xf32, #tpu.memory_space<vmem>> -> memref<128xf32, #tpu.memory_space<vmem>>
    %gather3A_422 = tpu.vector_load_idx %gather3A_421[%add3A_90] masked %ge3A_78 : memref<128xf32, #tpu.memory_space<vmem>>[vector<16xi32>], vector<16xf32>, vector<16xi1>
    %abs3A_423 = math.absf %gather3A_422 : vector<16xf32>
    %gather3A_424 = arith.constant 49024 : i32
    %gather3A_425 = tpu.memref_slice %arg4[%gather3A_424] : memref<65536xf32, #tpu.memory_space<vmem>> -> memref<128xf32, #tpu.memory_space<vmem>>
    %gather3A_426 = tpu.vector_load_idx %gather3A_425[%add3A_96] masked %ge3A_78 : memref<128xf32, #tpu.memory_space<vmem>>[vector<16xi32>], vector<16xf32>, vector<16xi1>
    %abs3A_427 = math.absf %gather3A_426 : vector<16xf32>
    %gather3A_428 = arith.constant 49024 : i32
    %gather3A_429 = tpu.memref_slice %arg4[%gather3A_428] : memref<65536xf32, #tpu.memory_space<vmem>> -> memref<128xf32, #tpu.memory_space<vmem>>
    %gather3A_430 = tpu.vector_load_idx %gather3A_429[%add3A_102] masked %ge3A_78 : memref<128xf32, #tpu.memory_space<vmem>>[vector<16xi32>], vector<16xf32>, vector<16xi1>
    %abs3A_431 = math.absf %gather3A_430 : vector<16xf32>
    %gather3A_432 = arith.constant 49024 : i32
    %gather3A_433 = tpu.memref_slice %arg4[%gather3A_432] : memref<65536xf32, #tpu.memory_space<vmem>> -> memref<128xf32, #tpu.memory_space<vmem>>
    %gather3A_434 = tpu.vector_load_idx %gather3A_433[%add3A_108] masked %ge3A_78 : memref<128xf32, #tpu.memory_space<vmem>>[vector<16xi32>], vector<16xf32>, vector<16xi1>
    %abs3A_435 = math.absf %gather3A_434 : vector<16xf32>
    %gather3A_436 = arith.constant 49024 : i32
    %gather3A_437 = tpu.memref_slice %arg4[%gather3A_436] : memref<65536xf32, #tpu.memory_space<vmem>> -> memref<128xf32, #tpu.memory_space<vmem>>
    %gather3A_438 = tpu.vector_load_idx %gather3A_437[%add3A_114] masked %ge3A_78 : memref<128xf32, #tpu.memory_space<vmem>>[vector<16xi32>], vector<16xf32>, vector<16xi1>
    %abs3A_439 = math.absf %gather3A_438 : vector<16xf32>
    %gather3A_440 = arith.constant 49024 : i32
    %gather3A_441 = tpu.memref_slice %arg4[%gather3A_440] : memref<65536xf32, #tpu.memory_space<vmem>> -> memref<128xf32, #tpu.memory_space<vmem>>
    %gather3A_442 = tpu.vector_load_idx %gather3A_441[%add3A_120] masked %ge3A_78 : memref<128xf32, #tpu.memory_space<vmem>>[vector<16xi32>], vector<16xf32>, vector<16xi1>
    %abs3A_443 = math.absf %gather3A_442 : vector<16xf32>
    %gather3A_444 = arith.constant 49024 : i32
    %gather3A_445 = tpu.memref_slice %arg4[%gather3A_444] : memref<65536xf32, #tpu.memory_space<vmem>> -> memref<128xf32, #tpu.memory_space<vmem>>
    %gather3A_446 = tpu.vector_load_idx %gather3A_445[%add3A_126] masked %ge3A_78 : memref<128xf32, #tpu.memory_space<vmem>>[vector<16xi32>], vector<16xf32>, vector<16xi1>
    %abs3A_447 = math.absf %gather3A_446 : vector<16xf32>
    %reshape3A_448 = vector.shape_cast %and3A_65 : vector<16xi32> to vector<16x1xi32>
    %gather3A_449 = vector.shape_cast %reshape3A_448 : vector<16x1xi32> to vector<16xi32>
    %gather3A_450 = tpu.dynamic_gather %scan3A_414#7[%gather3A_449] in [0] : vector<16xf32>, vector<16xi32> -> vector<16xf32>
    %select_n3A_451 = arith.select %eq3A_73, %broadcast_in_dim3A_60, %gather3A_450 : vector<16xi1>, vector<16xf32>
    %reshape3A_452 = vector.shape_cast %and3A_71 : vector<16xi32> to vector<16x1xi32>
    %gather3A_453 = vector.shape_cast %reshape3A_452 : vector<16x1xi32> to vector<16xi32>
    %gather3A_454 = tpu.dynamic_gather %scan3A_414#0[%gather3A_453] in [0] : vector<16xf32>, vector<16xi32> -> vector<16xf32>
    %select_n3A_455 = arith.select %eq3A_76, %broadcast_in_dim3A_60, %gather3A_454 : vector<16xi1>, vector<16xf32>
    %min3A_456 = arith.minimumf %select_n3A_451, %scan3A_414#0 : vector<16xf32>
    %min3A_457 = arith.minimumf %min3A_456, %scan3A_414#1 : vector<16xf32>
    %add3A_458 = arith.addf %abs3A_419, %min3A_457 : vector<16xf32>
    %min3A_459 = arith.minimumf %scan3A_414#0, %scan3A_414#1 : vector<16xf32>
    %min3A_460 = arith.minimumf %min3A_459, %scan3A_414#2 : vector<16xf32>
    %add3A_461 = arith.addf %abs3A_423, %min3A_460 : vector<16xf32>
    %min3A_462 = arith.minimumf %scan3A_414#1, %scan3A_414#2 : vector<16xf32>
    %min3A_463 = arith.minimumf %min3A_462, %scan3A_414#3 : vector<16xf32>
    %add3A_464 = arith.addf %abs3A_427, %min3A_463 : vector<16xf32>
    %min3A_465 = arith.minimumf %scan3A_414#2, %scan3A_414#3 : vector<16xf32>
    %min3A_466 = arith.minimumf %min3A_465, %scan3A_414#4 : vector<16xf32>
    %add3A_467 = arith.addf %abs3A_431, %min3A_466 : vector<16xf32>
    %min3A_468 = arith.minimumf %scan3A_414#3, %scan3A_414#4 : vector<16xf32>
    %min3A_469 = arith.minimumf %min3A_468, %scan3A_414#5 : vector<16xf32>
    %add3A_470 = arith.addf %abs3A_435, %min3A_469 : vector<16xf32>
    %min3A_471 = arith.minimumf %scan3A_414#4, %scan3A_414#5 : vector<16xf32>
    %min3A_472 = arith.minimumf %min3A_471, %scan3A_414#6 : vector<16xf32>
    %add3A_473 = arith.addf %abs3A_439, %min3A_472 : vector<16xf32>
    %min3A_474 = arith.minimumf %scan3A_414#5, %scan3A_414#6 : vector<16xf32>
    %min3A_475 = arith.minimumf %min3A_474, %scan3A_414#7 : vector<16xf32>
    %add3A_476 = arith.addf %abs3A_443, %min3A_475 : vector<16xf32>
    %min3A_477 = arith.minimumf %scan3A_414#6, %scan3A_414#7 : vector<16xf32>
    %min3A_478 = arith.minimumf %min3A_477, %select_n3A_455 : vector<16xf32>
    %add3A_479 = arith.addf %abs3A_447, %min3A_478 : vector<16xf32>
    %min3A_480 = arith.minimumf %add3A_458, %add3A_461 : vector<16xf32>
    %min3A_481 = arith.minimumf %min3A_480, %add3A_464 : vector<16xf32>
    %min3A_482 = arith.minimumf %min3A_481, %add3A_467 : vector<16xf32>
    %min3A_483 = arith.minimumf %min3A_482, %add3A_470 : vector<16xf32>
    %min3A_484 = arith.minimumf %min3A_483, %add3A_473 : vector<16xf32>
    %min3A_485 = arith.minimumf %min3A_484, %add3A_476 : vector<16xf32>
    %min3A_486 = arith.minimumf %min3A_485, %add3A_479 : vector<16xf32>
    %reduce_min3A_487 = arith.constant true
    %reduce_min3A_488 = vector.broadcast %reduce_min3A_487 : i1 to vector<16xi1>
    %reduce_min3A_489 = tpu.scan <min>, %min3A_486 masked %reduce_min3A_488 : vector<16xf32>, vector<16xi1> -> vector<16xf32>
    %reduce_min3A_490 = vector.extract %reduce_min3A_489[15] : f32 from vector<16xf32>
    %broadcast_in_dim3A_491 = vector.broadcast %reduce_min3A_490 : f32 to vector<16xf32>
    %broadcast_in_dim3A_492 = arith.constant 2 : i32
    %broadcast_in_dim3A_493 = vector.broadcast %broadcast_in_dim3A_492 : i32 to vector<16xi32>
    tpu.vector_store_idx %arg5[%broadcast_in_dim3A_493], %broadcast_in_dim3A_491 masked %eq3A_73 : memref<4xf32, #tpu.memory_space<vmem>>[vector<16xi32>], vector<16xf32>, vector<16xi1>
    %dma_wait3A_494 = arith.constant 3 : i32
    %dma_wait3A_495 = arith.constant 49152 : i32
    %dma_wait3A_496 = tpu.memref_slice %arg4[%dma_wait3A_495] : memref<65536xf32, #tpu.memory_space<vmem>> -> memref<16384xf32, #tpu.memory_space<vmem>>
    %dma_wait3A_497 = tpu.memref_slice %arg2[%mul3A_50] : memref<2097152xf32, #tpu.memory_space<hbm>> -> memref<16384xf32, #tpu.memory_space<hbm>>
    %dma_wait3A_498 = tpu.memref_slice %arg6[%dma_wait3A_494] : memref<4x!tpu.dma_semaphore, #tpu.memory_space<semaphore_mem>> -> memref<1x!tpu.dma_semaphore, #tpu.memory_space<semaphore_mem>>
    %dma_wait3A_499 = tpu.memref_squeeze %dma_wait3A_498 : memref<1x!tpu.dma_semaphore, #tpu.memory_space<semaphore_mem>> -> memref<!tpu.dma_semaphore, #tpu.memory_space<semaphore_mem>>
    %dma_wait3A_500 = arith.constant 49152 : i32
    %dma_wait3A_501 = tpu.memref_slice %arg4[%dma_wait3A_500] : memref<65536xf32, #tpu.memory_space<vmem>> -> memref<16384xf32, #tpu.memory_space<vmem>>
    %dma_wait3A_502 = tpu.memref_slice %arg2[%mul3A_50] : memref<2097152xf32, #tpu.memory_space<hbm>> -> memref<16384xf32, #tpu.memory_space<hbm>>
    tpu.wait_dma2 semaphore(%dma_wait3A_499 : memref<!tpu.dma_semaphore, #tpu.memory_space<semaphore_mem>>) src(%dma_wait3A_502 : memref<16384xf32, #tpu.memory_space<hbm>>) dst(%dma_wait3A_501 : memref<16384xf32, #tpu.memory_space<vmem>>)
    %gather3A_503 = arith.constant 49152 : i32
    %gather3A_504 = tpu.memref_slice %arg4[%gather3A_503] : memref<65536xf32, #tpu.memory_space<vmem>> -> memref<128xf32, #tpu.memory_space<vmem>>
    %gather3A_505 = tpu.vector_load_idx %gather3A_504[%add3A_84] masked %ge3A_78 : memref<128xf32, #tpu.memory_space<vmem>>[vector<16xi32>], vector<16xf32>, vector<16xi1>
    %abs3A_506 = math.absf %gather3A_505 : vector<16xf32>
    %gather3A_507 = arith.constant 49152 : i32
    %gather3A_508 = tpu.memref_slice %arg4[%gather3A_507] : memref<65536xf32, #tpu.memory_space<vmem>> -> memref<128xf32, #tpu.memory_space<vmem>>
    %gather3A_509 = tpu.vector_load_idx %gather3A_508[%add3A_90] masked %ge3A_78 : memref<128xf32, #tpu.memory_space<vmem>>[vector<16xi32>], vector<16xf32>, vector<16xi1>
    %abs3A_510 = math.absf %gather3A_509 : vector<16xf32>
    %gather3A_511 = arith.constant 49152 : i32
    %gather3A_512 = tpu.memref_slice %arg4[%gather3A_511] : memref<65536xf32, #tpu.memory_space<vmem>> -> memref<128xf32, #tpu.memory_space<vmem>>
    %gather3A_513 = tpu.vector_load_idx %gather3A_512[%add3A_96] masked %ge3A_78 : memref<128xf32, #tpu.memory_space<vmem>>[vector<16xi32>], vector<16xf32>, vector<16xi1>
    %abs3A_514 = math.absf %gather3A_513 : vector<16xf32>
    %gather3A_515 = arith.constant 49152 : i32
    %gather3A_516 = tpu.memref_slice %arg4[%gather3A_515] : memref<65536xf32, #tpu.memory_space<vmem>> -> memref<128xf32, #tpu.memory_space<vmem>>
    %gather3A_517 = tpu.vector_load_idx %gather3A_516[%add3A_102] masked %ge3A_78 : memref<128xf32, #tpu.memory_space<vmem>>[vector<16xi32>], vector<16xf32>, vector<16xi1>
    %abs3A_518 = math.absf %gather3A_517 : vector<16xf32>
    %gather3A_519 = arith.constant 49152 : i32
    %gather3A_520 = tpu.memref_slice %arg4[%gather3A_519] : memref<65536xf32, #tpu.memory_space<vmem>> -> memref<128xf32, #tpu.memory_space<vmem>>
    %gather3A_521 = tpu.vector_load_idx %gather3A_520[%add3A_108] masked %ge3A_78 : memref<128xf32, #tpu.memory_space<vmem>>[vector<16xi32>], vector<16xf32>, vector<16xi1>
    %abs3A_522 = math.absf %gather3A_521 : vector<16xf32>
    %gather3A_523 = arith.constant 49152 : i32
    %gather3A_524 = tpu.memref_slice %arg4[%gather3A_523] : memref<65536xf32, #tpu.memory_space<vmem>> -> memref<128xf32, #tpu.memory_space<vmem>>
    %gather3A_525 = tpu.vector_load_idx %gather3A_524[%add3A_114] masked %ge3A_78 : memref<128xf32, #tpu.memory_space<vmem>>[vector<16xi32>], vector<16xf32>, vector<16xi1>
    %abs3A_526 = math.absf %gather3A_525 : vector<16xf32>
    %gather3A_527 = arith.constant 49152 : i32
    %gather3A_528 = tpu.memref_slice %arg4[%gather3A_527] : memref<65536xf32, #tpu.memory_space<vmem>> -> memref<128xf32, #tpu.memory_space<vmem>>
    %gather3A_529 = tpu.vector_load_idx %gather3A_528[%add3A_120] masked %ge3A_78 : memref<128xf32, #tpu.memory_space<vmem>>[vector<16xi32>], vector<16xf32>, vector<16xi1>
    %abs3A_530 = math.absf %gather3A_529 : vector<16xf32>
    %gather3A_531 = arith.constant 49152 : i32
    %gather3A_532 = tpu.memref_slice %arg4[%gather3A_531] : memref<65536xf32, #tpu.memory_space<vmem>> -> memref<128xf32, #tpu.memory_space<vmem>>
    %gather3A_533 = tpu.vector_load_idx %gather3A_532[%add3A_126] masked %ge3A_78 : memref<128xf32, #tpu.memory_space<vmem>>[vector<16xi32>], vector<16xf32>, vector<16xi1>
    %abs3A_534 = math.absf %gather3A_533 : vector<16xf32>
    %scan3A_535 = arith.constant 0 : i32
    %scan3A_536 = arith.constant 63 : i32
    %scan3A_537 = arith.addi %scan3A_535, %scan3A_536 : i32
    %scan3A_538 = arith.constant 1 : i32
    %scan3A_539:8 = scf.for %scan3A_619 = %scan3A_535 to %scan3A_537 step %scan3A_538 iter_args(%scan3A_620 = %abs3A_506, %scan3A_621 = %abs3A_510, %scan3A_622 = %abs3A_514, %scan3A_623 = %abs3A_518, %scan3A_624 = %abs3A_522, %scan3A_625 = %abs3A_526, %scan3A_626 = %abs3A_530, %scan3A_627 = %abs3A_534) -> (vector<16xf32>, vector<16xf32>, vector<16xf32>, vector<16xf32>, vector<16xf32>, vector<16xf32>, vector<16xf32>, vector<16xf32>)  : i32 {
      %mul3A_628 = arith.constant 2 : i32
      %mul3A_629 = arith.muli %mul3A_628, %scan3A_619 : i32
      %add3A_630 = arith.constant 2 : i32
      %add3A_631 = arith.addi %mul3A_629, %add3A_630 : i32
      %mul3A_632 = arith.constant 2 : i32
      %mul3A_633 = arith.muli %mul3A_632, %scan3A_619 : i32
      %add3A_634 = arith.constant 1 : i32
      %add3A_635 = arith.addi %mul3A_633, %add3A_634 : i32
      %add3A_636 = arith.constant 384 : i32
      %add3A_637 = arith.addi %add3A_636, %add3A_635 : i32
      %mul3A_638 = arith.constant 128 : i32
      %mul3A_639 = arith.muli %add3A_637, %mul3A_638 : i32
      %gather3A_640 = tpu.memref_slice %arg4[%mul3A_639] : memref<65536xf32, #tpu.memory_space<vmem>> -> memref<128xf32, #tpu.memory_space<vmem>>
      %gather3A_641 = tpu.vector_load_idx %gather3A_640[%add3A_84] masked %ge3A_78 : memref<128xf32, #tpu.memory_space<vmem>>[vector<16xi32>], vector<16xf32>, vector<16xi1>
      %abs3A_642 = math.absf %gather3A_641 : vector<16xf32>
      %gather3A_643 = tpu.memref_slice %arg4[%mul3A_639] : memref<65536xf32, #tpu.memory_space<vmem>> -> memref<128xf32, #tpu.memory_space<vmem>>
      %gather3A_644 = tpu.vector_load_idx %gather3A_643[%add3A_90] masked %ge3A_78 : memref<128xf32, #tpu.memory_space<vmem>>[vector<16xi32>], vector<16xf32>, vector<16xi1>
      %abs3A_645 = math.absf %gather3A_644 : vector<16xf32>
      %gather3A_646 = tpu.memref_slice %arg4[%mul3A_639] : memref<65536xf32, #tpu.memory_space<vmem>> -> memref<128xf32, #tpu.memory_space<vmem>>
      %gather3A_647 = tpu.vector_load_idx %gather3A_646[%add3A_96] masked %ge3A_78 : memref<128xf32, #tpu.memory_space<vmem>>[vector<16xi32>], vector<16xf32>, vector<16xi1>
      %abs3A_648 = math.absf %gather3A_647 : vector<16xf32>
      %gather3A_649 = tpu.memref_slice %arg4[%mul3A_639] : memref<65536xf32, #tpu.memory_space<vmem>> -> memref<128xf32, #tpu.memory_space<vmem>>
      %gather3A_650 = tpu.vector_load_idx %gather3A_649[%add3A_102] masked %ge3A_78 : memref<128xf32, #tpu.memory_space<vmem>>[vector<16xi32>], vector<16xf32>, vector<16xi1>
      %abs3A_651 = math.absf %gather3A_650 : vector<16xf32>
      %gather3A_652 = tpu.memref_slice %arg4[%mul3A_639] : memref<65536xf32, #tpu.memory_space<vmem>> -> memref<128xf32, #tpu.memory_space<vmem>>
      %gather3A_653 = tpu.vector_load_idx %gather3A_652[%add3A_108] masked %ge3A_78 : memref<128xf32, #tpu.memory_space<vmem>>[vector<16xi32>], vector<16xf32>, vector<16xi1>
      %abs3A_654 = math.absf %gather3A_653 : vector<16xf32>
      %gather3A_655 = tpu.memref_slice %arg4[%mul3A_639] : memref<65536xf32, #tpu.memory_space<vmem>> -> memref<128xf32, #tpu.memory_space<vmem>>
      %gather3A_656 = tpu.vector_load_idx %gather3A_655[%add3A_114] masked %ge3A_78 : memref<128xf32, #tpu.memory_space<vmem>>[vector<16xi32>], vector<16xf32>, vector<16xi1>
      %abs3A_657 = math.absf %gather3A_656 : vector<16xf32>
      %gather3A_658 = tpu.memref_slice %arg4[%mul3A_639] : memref<65536xf32, #tpu.memory_space<vmem>> -> memref<128xf32, #tpu.memory_space<vmem>>
      %gather3A_659 = tpu.vector_load_idx %gather3A_658[%add3A_120] masked %ge3A_78 : memref<128xf32, #tpu.memory_space<vmem>>[vector<16xi32>], vector<16xf32>, vector<16xi1>
      %abs3A_660 = math.absf %gather3A_659 : vector<16xf32>
      %gather3A_661 = tpu.memref_slice %arg4[%mul3A_639] : memref<65536xf32, #tpu.memory_space<vmem>> -> memref<128xf32, #tpu.memory_space<vmem>>
      %gather3A_662 = tpu.vector_load_idx %gather3A_661[%add3A_126] masked %ge3A_78 : memref<128xf32, #tpu.memory_space<vmem>>[vector<16xi32>], vector<16xf32>, vector<16xi1>
      %abs3A_663 = math.absf %gather3A_662 : vector<16xf32>
      %reshape3A_664 = vector.shape_cast %and3A_65 : vector<16xi32> to vector<16x1xi32>
      %gather3A_665 = vector.shape_cast %reshape3A_664 : vector<16x1xi32> to vector<16xi32>
      %gather3A_666 = tpu.dynamic_gather %scan3A_627[%gather3A_665] in [0] : vector<16xf32>, vector<16xi32> -> vector<16xf32>
      %select_n3A_667 = arith.select %eq3A_73, %broadcast_in_dim3A_60, %gather3A_666 : vector<16xi1>, vector<16xf32>
      %reshape3A_668 = vector.shape_cast %and3A_71 : vector<16xi32> to vector<16x1xi32>
      %gather3A_669 = vector.shape_cast %reshape3A_668 : vector<16x1xi32> to vector<16xi32>
      %gather3A_670 = tpu.dynamic_gather %scan3A_620[%gather3A_669] in [0] : vector<16xf32>, vector<16xi32> -> vector<16xf32>
      %select_n3A_671 = arith.select %eq3A_76, %broadcast_in_dim3A_60, %gather3A_670 : vector<16xi1>, vector<16xf32>
      %min3A_672 = arith.minimumf %select_n3A_667, %scan3A_620 : vector<16xf32>
      %min3A_673 = arith.minimumf %min3A_672, %scan3A_621 : vector<16xf32>
      %add3A_674 = arith.addf %abs3A_642, %min3A_673 : vector<16xf32>
      %min3A_675 = arith.minimumf %scan3A_620, %scan3A_621 : vector<16xf32>
      %min3A_676 = arith.minimumf %min3A_675, %scan3A_622 : vector<16xf32>
      %add3A_677 = arith.addf %abs3A_645, %min3A_676 : vector<16xf32>
      %min3A_678 = arith.minimumf %scan3A_621, %scan3A_622 : vector<16xf32>
      %min3A_679 = arith.minimumf %min3A_678, %scan3A_623 : vector<16xf32>
      %add3A_680 = arith.addf %abs3A_648, %min3A_679 : vector<16xf32>
      %min3A_681 = arith.minimumf %scan3A_622, %scan3A_623 : vector<16xf32>
      %min3A_682 = arith.minimumf %min3A_681, %scan3A_624 : vector<16xf32>
      %add3A_683 = arith.addf %abs3A_651, %min3A_682 : vector<16xf32>
      %min3A_684 = arith.minimumf %scan3A_623, %scan3A_624 : vector<16xf32>
      %min3A_685 = arith.minimumf %min3A_684, %scan3A_625 : vector<16xf32>
      %add3A_686 = arith.addf %abs3A_654, %min3A_685 : vector<16xf32>
      %min3A_687 = arith.minimumf %scan3A_624, %scan3A_625 : vector<16xf32>
      %min3A_688 = arith.minimumf %min3A_687, %scan3A_626 : vector<16xf32>
      %add3A_689 = arith.addf %abs3A_657, %min3A_688 : vector<16xf32>
      %min3A_690 = arith.minimumf %scan3A_625, %scan3A_626 : vector<16xf32>
      %min3A_691 = arith.minimumf %min3A_690, %scan3A_627 : vector<16xf32>
      %add3A_692 = arith.addf %abs3A_660, %min3A_691 : vector<16xf32>
      %min3A_693 = arith.minimumf %scan3A_626, %scan3A_627 : vector<16xf32>
      %min3A_694 = arith.minimumf %min3A_693, %select_n3A_671 : vector<16xf32>
      %add3A_695 = arith.addf %abs3A_663, %min3A_694 : vector<16xf32>
      %add3A_696 = arith.constant 384 : i32
      %add3A_697 = arith.addi %add3A_696, %add3A_631 : i32
      %mul3A_698 = arith.constant 128 : i32
      %mul3A_699 = arith.muli %add3A_697, %mul3A_698 : i32
      %gather3A_700 = tpu.memref_slice %arg4[%mul3A_699] : memref<65536xf32, #tpu.memory_space<vmem>> -> memref<128xf32, #tpu.memory_space<vmem>>
      %gather3A_701 = tpu.vector_load_idx %gather3A_700[%add3A_84] masked %ge3A_78 : memref<128xf32, #tpu.memory_space<vmem>>[vector<16xi32>], vector<16xf32>, vector<16xi1>
      %abs3A_702 = math.absf %gather3A_701 : vector<16xf32>
      %gather3A_703 = tpu.memref_slice %arg4[%mul3A_699] : memref<65536xf32, #tpu.memory_space<vmem>> -> memref<128xf32, #tpu.memory_space<vmem>>
      %gather3A_704 = tpu.vector_load_idx %gather3A_703[%add3A_90] masked %ge3A_78 : memref<128xf32, #tpu.memory_space<vmem>>[vector<16xi32>], vector<16xf32>, vector<16xi1>
      %abs3A_705 = math.absf %gather3A_704 : vector<16xf32>
      %gather3A_706 = tpu.memref_slice %arg4[%mul3A_699] : memref<65536xf32, #tpu.memory_space<vmem>> -> memref<128xf32, #tpu.memory_space<vmem>>
      %gather3A_707 = tpu.vector_load_idx %gather3A_706[%add3A_96] masked %ge3A_78 : memref<128xf32, #tpu.memory_space<vmem>>[vector<16xi32>], vector<16xf32>, vector<16xi1>
      %abs3A_708 = math.absf %gather3A_707 : vector<16xf32>
      %gather3A_709 = tpu.memref_slice %arg4[%mul3A_699] : memref<65536xf32, #tpu.memory_space<vmem>> -> memref<128xf32, #tpu.memory_space<vmem>>
      %gather3A_710 = tpu.vector_load_idx %gather3A_709[%add3A_102] masked %ge3A_78 : memref<128xf32, #tpu.memory_space<vmem>>[vector<16xi32>], vector<16xf32>, vector<16xi1>
      %abs3A_711 = math.absf %gather3A_710 : vector<16xf32>
      %gather3A_712 = tpu.memref_slice %arg4[%mul3A_699] : memref<65536xf32, #tpu.memory_space<vmem>> -> memref<128xf32, #tpu.memory_space<vmem>>
      %gather3A_713 = tpu.vector_load_idx %gather3A_712[%add3A_108] masked %ge3A_78 : memref<128xf32, #tpu.memory_space<vmem>>[vector<16xi32>], vector<16xf32>, vector<16xi1>
      %abs3A_714 = math.absf %gather3A_713 : vector<16xf32>
      %gather3A_715 = tpu.memref_slice %arg4[%mul3A_699] : memref<65536xf32, #tpu.memory_space<vmem>> -> memref<128xf32, #tpu.memory_space<vmem>>
      %gather3A_716 = tpu.vector_load_idx %gather3A_715[%add3A_114] masked %ge3A_78 : memref<128xf32, #tpu.memory_space<vmem>>[vector<16xi32>], vector<16xf32>, vector<16xi1>
      %abs3A_717 = math.absf %gather3A_716 : vector<16xf32>
      %gather3A_718 = tpu.memref_slice %arg4[%mul3A_699] : memref<65536xf32, #tpu.memory_space<vmem>> -> memref<128xf32, #tpu.memory_space<vmem>>
      %gather3A_719 = tpu.vector_load_idx %gather3A_718[%add3A_120] masked %ge3A_78 : memref<128xf32, #tpu.memory_space<vmem>>[vector<16xi32>], vector<16xf32>, vector<16xi1>
      %abs3A_720 = math.absf %gather3A_719 : vector<16xf32>
      %gather3A_721 = tpu.memref_slice %arg4[%mul3A_699] : memref<65536xf32, #tpu.memory_space<vmem>> -> memref<128xf32, #tpu.memory_space<vmem>>
      %gather3A_722 = tpu.vector_load_idx %gather3A_721[%add3A_126] masked %ge3A_78 : memref<128xf32, #tpu.memory_space<vmem>>[vector<16xi32>], vector<16xf32>, vector<16xi1>
      %abs3A_723 = math.absf %gather3A_722 : vector<16xf32>
      %reshape3A_724 = vector.shape_cast %and3A_65 : vector<16xi32> to vector<16x1xi32>
      %gather3A_725 = vector.shape_cast %reshape3A_724 : vector<16x1xi32> to vector<16xi32>
      %gather3A_726 = tpu.dynamic_gather %add3A_695[%gather3A_725] in [0] : vector<16xf32>, vector<16xi32> -> vector<16xf32>
      %select_n3A_727 = arith.select %eq3A_73, %broadcast_in_dim3A_60, %gather3A_726 : vector<16xi1>, vector<16xf32>
      %reshape3A_728 = vector.shape_cast %and3A_71 : vector<16xi32> to vector<16x1xi32>
      %gather3A_729 = vector.shape_cast %reshape3A_728 : vector<16x1xi32> to vector<16xi32>
      %gather3A_730 = tpu.dynamic_gather %add3A_674[%gather3A_729] in [0] : vector<16xf32>, vector<16xi32> -> vector<16xf32>
      %select_n3A_731 = arith.select %eq3A_76, %broadcast_in_dim3A_60, %gather3A_730 : vector<16xi1>, vector<16xf32>
      %min3A_732 = arith.minimumf %select_n3A_727, %add3A_674 : vector<16xf32>
      %min3A_733 = arith.minimumf %min3A_732, %add3A_677 : vector<16xf32>
      %add3A_734 = arith.addf %abs3A_702, %min3A_733 : vector<16xf32>
      %min3A_735 = arith.minimumf %add3A_674, %add3A_677 : vector<16xf32>
      %min3A_736 = arith.minimumf %min3A_735, %add3A_680 : vector<16xf32>
      %add3A_737 = arith.addf %abs3A_705, %min3A_736 : vector<16xf32>
      %min3A_738 = arith.minimumf %add3A_677, %add3A_680 : vector<16xf32>
      %min3A_739 = arith.minimumf %min3A_738, %add3A_683 : vector<16xf32>
      %add3A_740 = arith.addf %abs3A_708, %min3A_739 : vector<16xf32>
      %min3A_741 = arith.minimumf %add3A_680, %add3A_683 : vector<16xf32>
      %min3A_742 = arith.minimumf %min3A_741, %add3A_686 : vector<16xf32>
      %add3A_743 = arith.addf %abs3A_711, %min3A_742 : vector<16xf32>
      %min3A_744 = arith.minimumf %add3A_683, %add3A_686 : vector<16xf32>
      %min3A_745 = arith.minimumf %min3A_744, %add3A_689 : vector<16xf32>
      %add3A_746 = arith.addf %abs3A_714, %min3A_745 : vector<16xf32>
      %min3A_747 = arith.minimumf %add3A_686, %add3A_689 : vector<16xf32>
      %min3A_748 = arith.minimumf %min3A_747, %add3A_692 : vector<16xf32>
      %add3A_749 = arith.addf %abs3A_717, %min3A_748 : vector<16xf32>
      %min3A_750 = arith.minimumf %add3A_689, %add3A_692 : vector<16xf32>
      %min3A_751 = arith.minimumf %min3A_750, %add3A_695 : vector<16xf32>
      %add3A_752 = arith.addf %abs3A_720, %min3A_751 : vector<16xf32>
      %min3A_753 = arith.minimumf %add3A_692, %add3A_695 : vector<16xf32>
      %min3A_754 = arith.minimumf %min3A_753, %select_n3A_731 : vector<16xf32>
      %add3A_755 = arith.addf %abs3A_723, %min3A_754 : vector<16xf32>
      scf.yield %add3A_734, %add3A_737, %add3A_740, %add3A_743, %add3A_746, %add3A_749, %add3A_752, %add3A_755 : vector<16xf32>, vector<16xf32>, vector<16xf32>, vector<16xf32>, vector<16xf32>, vector<16xf32>, vector<16xf32>, vector<16xf32>
    }
    %scan3A_540 = arith.constant 63 : i32
    %gather3A_541 = arith.constant 65408 : i32
    %gather3A_542 = tpu.memref_slice %arg4[%gather3A_541] : memref<65536xf32, #tpu.memory_space<vmem>> -> memref<128xf32, #tpu.memory_space<vmem>>
    %gather3A_543 = tpu.vector_load_idx %gather3A_542[%add3A_84] masked %ge3A_78 : memref<128xf32, #tpu.memory_space<vmem>>[vector<16xi32>], vector<16xf32>, vector<16xi1>
    %abs3A_544 = math.absf %gather3A_543 : vector<16xf32>
    %gather3A_545 = arith.constant 65408 : i32
    %gather3A_546 = tpu.memref_slice %arg4[%gather3A_545] : memref<65536xf32, #tpu.memory_space<vmem>> -> memref<128xf32, #tpu.memory_space<vmem>>
    %gather3A_547 = tpu.vector_load_idx %gather3A_546[%add3A_90] masked %ge3A_78 : memref<128xf32, #tpu.memory_space<vmem>>[vector<16xi32>], vector<16xf32>, vector<16xi1>
    %abs3A_548 = math.absf %gather3A_547 : vector<16xf32>
    %gather3A_549 = arith.constant 65408 : i32
    %gather3A_550 = tpu.memref_slice %arg4[%gather3A_549] : memref<65536xf32, #tpu.memory_space<vmem>> -> memref<128xf32, #tpu.memory_space<vmem>>
    %gather3A_551 = tpu.vector_load_idx %gather3A_550[%add3A_96] masked %ge3A_78 : memref<128xf32, #tpu.memory_space<vmem>>[vector<16xi32>], vector<16xf32>, vector<16xi1>
    %abs3A_552 = math.absf %gather3A_551 : vector<16xf32>
    %gather3A_553 = arith.constant 65408 : i32
    %gather3A_554 = tpu.memref_slice %arg4[%gather3A_553] : memref<65536xf32, #tpu.memory_space<vmem>> -> memref<128xf32, #tpu.memory_space<vmem>>
    %gather3A_555 = tpu.vector_load_idx %gather3A_554[%add3A_102] masked %ge3A_78 : memref<128xf32, #tpu.memory_space<vmem>>[vector<16xi32>], vector<16xf32>, vector<16xi1>
    %abs3A_556 = math.absf %gather3A_555 : vector<16xf32>
    %gather3A_557 = arith.constant 65408 : i32
    %gather3A_558 = tpu.memref_slice %arg4[%gather3A_557] : memref<65536xf32, #tpu.memory_space<vmem>> -> memref<128xf32, #tpu.memory_space<vmem>>
    %gather3A_559 = tpu.vector_load_idx %gather3A_558[%add3A_108] masked %ge3A_78 : memref<128xf32, #tpu.memory_space<vmem>>[vector<16xi32>], vector<16xf32>, vector<16xi1>
    %abs3A_560 = math.absf %gather3A_559 : vector<16xf32>
    %gather3A_561 = arith.constant 65408 : i32
    %gather3A_562 = tpu.memref_slice %arg4[%gather3A_561] : memref<65536xf32, #tpu.memory_space<vmem>> -> memref<128xf32, #tpu.memory_space<vmem>>
    %gather3A_563 = tpu.vector_load_idx %gather3A_562[%add3A_114] masked %ge3A_78 : memref<128xf32, #tpu.memory_space<vmem>>[vector<16xi32>], vector<16xf32>, vector<16xi1>
    %abs3A_564 = math.absf %gather3A_563 : vector<16xf32>
    %gather3A_565 = arith.constant 65408 : i32
    %gather3A_566 = tpu.memref_slice %arg4[%gather3A_565] : memref<65536xf32, #tpu.memory_space<vmem>> -> memref<128xf32, #tpu.memory_space<vmem>>
    %gather3A_567 = tpu.vector_load_idx %gather3A_566[%add3A_120] masked %ge3A_78 : memref<128xf32, #tpu.memory_space<vmem>>[vector<16xi32>], vector<16xf32>, vector<16xi1>
    %abs3A_568 = math.absf %gather3A_567 : vector<16xf32>
    %gather3A_569 = arith.constant 65408 : i32
    %gather3A_570 = tpu.memref_slice %arg4[%gather3A_569] : memref<65536xf32, #tpu.memory_space<vmem>> -> memref<128xf32, #tpu.memory_space<vmem>>
    %gather3A_571 = tpu.vector_load_idx %gather3A_570[%add3A_126] masked %ge3A_78 : memref<128xf32, #tpu.memory_space<vmem>>[vector<16xi32>], vector<16xf32>, vector<16xi1>
    %abs3A_572 = math.absf %gather3A_571 : vector<16xf32>
    %reshape3A_573 = vector.shape_cast %and3A_65 : vector<16xi32> to vector<16x1xi32>
    %gather3A_574 = vector.shape_cast %reshape3A_573 : vector<16x1xi32> to vector<16xi32>
    %gather3A_575 = tpu.dynamic_gather %scan3A_539#7[%gather3A_574] in [0] : vector<16xf32>, vector<16xi32> -> vector<16xf32>
    %select_n3A_576 = arith.select %eq3A_73, %broadcast_in_dim3A_60, %gather3A_575 : vector<16xi1>, vector<16xf32>
    %reshape3A_577 = vector.shape_cast %and3A_71 : vector<16xi32> to vector<16x1xi32>
    %gather3A_578 = vector.shape_cast %reshape3A_577 : vector<16x1xi32> to vector<16xi32>
    %gather3A_579 = tpu.dynamic_gather %scan3A_539#0[%gather3A_578] in [0] : vector<16xf32>, vector<16xi32> -> vector<16xf32>
    %select_n3A_580 = arith.select %eq3A_76, %broadcast_in_dim3A_60, %gather3A_579 : vector<16xi1>, vector<16xf32>
    %min3A_581 = arith.minimumf %select_n3A_576, %scan3A_539#0 : vector<16xf32>
    %min3A_582 = arith.minimumf %min3A_581, %scan3A_539#1 : vector<16xf32>
    %add3A_583 = arith.addf %abs3A_544, %min3A_582 : vector<16xf32>
    %min3A_584 = arith.minimumf %scan3A_539#0, %scan3A_539#1 : vector<16xf32>
    %min3A_585 = arith.minimumf %min3A_584, %scan3A_539#2 : vector<16xf32>
    %add3A_586 = arith.addf %abs3A_548, %min3A_585 : vector<16xf32>
    %min3A_587 = arith.minimumf %scan3A_539#1, %scan3A_539#2 : vector<16xf32>
    %min3A_588 = arith.minimumf %min3A_587, %scan3A_539#3 : vector<16xf32>
    %add3A_589 = arith.addf %abs3A_552, %min3A_588 : vector<16xf32>
    %min3A_590 = arith.minimumf %scan3A_539#2, %scan3A_539#3 : vector<16xf32>
    %min3A_591 = arith.minimumf %min3A_590, %scan3A_539#4 : vector<16xf32>
    %add3A_592 = arith.addf %abs3A_556, %min3A_591 : vector<16xf32>
    %min3A_593 = arith.minimumf %scan3A_539#3, %scan3A_539#4 : vector<16xf32>
    %min3A_594 = arith.minimumf %min3A_593, %scan3A_539#5 : vector<16xf32>
    %add3A_595 = arith.addf %abs3A_560, %min3A_594 : vector<16xf32>
    %min3A_596 = arith.minimumf %scan3A_539#4, %scan3A_539#5 : vector<16xf32>
    %min3A_597 = arith.minimumf %min3A_596, %scan3A_539#6 : vector<16xf32>
    %add3A_598 = arith.addf %abs3A_564, %min3A_597 : vector<16xf32>
    %min3A_599 = arith.minimumf %scan3A_539#5, %scan3A_539#6 : vector<16xf32>
    %min3A_600 = arith.minimumf %min3A_599, %scan3A_539#7 : vector<16xf32>
    %add3A_601 = arith.addf %abs3A_568, %min3A_600 : vector<16xf32>
    %min3A_602 = arith.minimumf %scan3A_539#6, %scan3A_539#7 : vector<16xf32>
    %min3A_603 = arith.minimumf %min3A_602, %select_n3A_580 : vector<16xf32>
    %add3A_604 = arith.addf %abs3A_572, %min3A_603 : vector<16xf32>
    %min3A_605 = arith.minimumf %add3A_583, %add3A_586 : vector<16xf32>
    %min3A_606 = arith.minimumf %min3A_605, %add3A_589 : vector<16xf32>
    %min3A_607 = arith.minimumf %min3A_606, %add3A_592 : vector<16xf32>
    %min3A_608 = arith.minimumf %min3A_607, %add3A_595 : vector<16xf32>
    %min3A_609 = arith.minimumf %min3A_608, %add3A_598 : vector<16xf32>
    %min3A_610 = arith.minimumf %min3A_609, %add3A_601 : vector<16xf32>
    %min3A_611 = arith.minimumf %min3A_610, %add3A_604 : vector<16xf32>
    %reduce_min3A_612 = arith.constant true
    %reduce_min3A_613 = vector.broadcast %reduce_min3A_612 : i1 to vector<16xi1>
    %reduce_min3A_614 = tpu.scan <min>, %min3A_611 masked %reduce_min3A_613 : vector<16xf32>, vector<16xi1> -> vector<16xf32>
    %reduce_min3A_615 = vector.extract %reduce_min3A_614[15] : f32 from vector<16xf32>
    %broadcast_in_dim3A_616 = vector.broadcast %reduce_min3A_615 : f32 to vector<16xf32>
    %broadcast_in_dim3A_617 = arith.constant 3 : i32
    %broadcast_in_dim3A_618 = vector.broadcast %broadcast_in_dim3A_617 : i32 to vector<16xi32>
    tpu.vector_store_idx %arg5[%broadcast_in_dim3A_618], %broadcast_in_dim3A_616 masked %eq3A_73 : memref<4xf32, #tpu.memory_space<vmem>>[vector<16xi32>], vector<16xf32>, vector<16xi1>
    "tpu.region"() ({
      %run_scoped3A = tpu.sem_alloc : memref<!tpu.dma_semaphore, #tpu.memory_space<semaphore_mem>>
      %dma_start3A_619 = arith.constant 0 : i32
      %dma_start3A_620 = tpu.memref_slice %arg3[%add3A, %dma_start3A_619] : memref<32x4xf32, #tpu.memory_space<hbm>> -> memref<1x4xf32, #tpu.memory_space<hbm>>
      %dma_start3A_621 = tpu.memref_squeeze %dma_start3A_620 : memref<1x4xf32, #tpu.memory_space<hbm>> -> memref<4xf32, #tpu.memory_space<hbm>>
      %dma_start3A_622 = arith.constant 0 : i32
      %dma_start3A_623 = tpu.memref_slice %arg3[%add3A, %dma_start3A_622] : memref<32x4xf32, #tpu.memory_space<hbm>> -> memref<1x4xf32, #tpu.memory_space<hbm>>
      %dma_start3A_624 = tpu.memref_squeeze %dma_start3A_623 : memref<1x4xf32, #tpu.memory_space<hbm>> -> memref<4xf32, #tpu.memory_space<hbm>>
      tpu.enqueue_dma source(%arg5 : memref<4xf32, #tpu.memory_space<vmem>>) target(%dma_start3A_624 : memref<4xf32, #tpu.memory_space<hbm>>) target_semaphore(%run_scoped3A : memref<!tpu.dma_semaphore, #tpu.memory_space<semaphore_mem>>)
      %dma_wait3A_625 = arith.constant 0 : i32
      %dma_wait3A_626 = tpu.memref_slice %arg3[%add3A, %dma_wait3A_625] : memref<32x4xf32, #tpu.memory_space<hbm>> -> memref<1x4xf32, #tpu.memory_space<hbm>>
      %dma_wait3A_627 = tpu.memref_squeeze %dma_wait3A_626 : memref<1x4xf32, #tpu.memory_space<hbm>> -> memref<4xf32, #tpu.memory_space<hbm>>
      %dma_wait3A_628 = arith.constant 0 : i32
      %dma_wait3A_629 = tpu.memref_slice %arg3[%add3A, %dma_wait3A_628] : memref<32x4xf32, #tpu.memory_space<hbm>> -> memref<1x4xf32, #tpu.memory_space<hbm>>
      %dma_wait3A_630 = tpu.memref_squeeze %dma_wait3A_629 : memref<1x4xf32, #tpu.memory_space<hbm>> -> memref<4xf32, #tpu.memory_space<hbm>>
      tpu.wait_dma2 semaphore(%run_scoped3A : memref<!tpu.dma_semaphore, #tpu.memory_space<semaphore_mem>>) src(%arg5 : memref<4xf32, #tpu.memory_space<vmem>>) dst(%dma_wait3A_630 : memref<4xf32, #tpu.memory_space<hbm>>)
      tpu.yield
    }) : () -> ()
    return
  }
}

</mosaic_0001>

<sc_bundles>
// kernel: kernel.3.cloned.1.call-start
scs
__scs_entry_jumppad:
0x0: {  	(pc) =	sbr.rel $0x88, $3  }
0x1: {  	(tag) =	ssettag $0x0;
	lr =	simm.s32 $0x1  }
0x2: {  	[smem:$0x3FA0] =	sst lr;
	_ =	strace $0xD0000000  }
0x3: {  	_ = 	snop  }
0x4: {  	_ = 	snop  }
0x5: {  	_ = 	snop  }
0x6: {  	_ = 	snop  }
0x7: {  	_ = 	snop  }
__scs_overlays_trampoline_lowered:
0x8: {  	[smem:$0x3FAF] =	sst s0  }
0x9: {  	[smem:$0x3FB0] =	sst s1  }
0xa: {  	[smem:$0x3FB1] =	sst s2  }
0xb: {  	[smem:$0x3FB2] =	sst s3  }
0xc: {  	[smem:$0x3FB3] =	sst s4  }
0xd: {  	[smem:$0x3FB4] =	sst s5  }
0xe: {  	[smem:$0x3FB5] =	sst s6  }
0xf: {  	[smem:$0x3FB6] =	sst s7  }
0x10: {  	[smem:$0x3FB7] =	sst s8  }
0x11: {  	[smem:$0x3FB8] =	sst s9;
	s0 =	simm.s32 @!p0 $0x0  }
0x12: {  	s1 =	sld [smem:$0x3F9E];
	s0 =	simm.s32 @p0 $0x1  }
0x13: {  	[smem:$0x3FB9] =	sst s0;
	s0 =	simm.s32 @!p1 $0x0  }
0x14: {  	s2 =	sld [smem:$0x3F9D];
	s0 =	simm.s32 @p1 $0x1  }
0x15: {  	[smem:$0x3FBA] =	sst s0;
	s0 =	simm.s32 @!p2 $0x0  }
0x16: {  	s3 =	sld [smem:$0x3FDB];
	s0 =	simm.s32 @p2 $0x1  }
0x17: {  	s4 =	simm.s32 $0x1BF5;
	[smem:$0x3FBC] =	sst s0  }
0x18: {  	s0 =	sld [smem:$0x3F9F];
	_ =	swait.ge [sflag:s4], $0x0  }
0x19: {  	s7 =	sld [smem:$0x3FA0]  }
0x1a: {  	s8 =	sadd.s32 $0xFFFFE003, lr  }
0x1b: {  	s9 =	sadd.s32 $0xFFFFFEF7, lr;
	s5 =	simm.s32 $0xFFFFFFFF;
	p2 =	slt.u32 s8, $0xFFFFF086  }
0x1c: {  	p1 =	slt.u32 s9, $0xF7A;
	s5 =	simm.s32 @!p2 $0x0  }
0x1d: {  	s5 =	simm.s32 @p1 $0x1;
	p0 =	seq.s32 s7, s2  }
0x1e: {  	s7 =	smul.u32 @!p0 $0xF7A, s2;
	p2 =	seq.s32 @!p0 s5, $0x0  }
0x1f: {  	s9 =	smul.u32 $0xF7A, s1;
	s8 =	simm.s32 @!p0 $0x1BF5;
	p2 =	por !p2, p0  }
0x20: {  	[sflag:s8] =	ssyncset.s32 @!p0 $0xFFFFF086;
	s6 =	sadd.s32 @!p0 s3, s7;
	s7 =	simm.s32 @!p0 $0x108  }
0x21: {  	s3 =	sadd.s32 s3, s9;
	s6 =	sadd.s32 @!p0 $0x88, s6;
	s7 =	simm.s32 @p2 $0x1082  }
0x22: {  	[simem:s7], [sflag:s8] =	dma.local @!p0 [hbm:s6], $0xF7A  }
0x23: {  	s9 =	sor.u32 $0xD0000000, s2;
	s6 =	simm.s32 $0x108;
	_ =	swait.ge @!p0 [sflag:s8], $0x0  }
0x24: {  	s3 =	sadd.s32 $0x88, s3;
	s6 =	simm.s32 @!p1 $0x1082;
	[sflag:s4] =	ssyncset.s32 $0xFFFFF086  }
0x25: {  	[simem:s6], [sflag:s4] =	dma.local [hbm:s3], $0xF7A  }
0x26: {  	[smem:$0x3FA0] =	sst s1;
	(tag) =	ssettag s2;
	_ =	strace s9  }
0x27: {  	s1 =	sld [smem:$0x3FB0]  }
0x28: {  	s2 =	sld [smem:$0x3FB1]  }
0x29: {  	s4 =	sld [smem:$0x3FB3]  }
0x2a: {  	p0 =	seq.s32 s5, $0x0;
	s5 =	sld [smem:$0x3FB4]  }
0x2b: {  	s6 =	sld [smem:$0x3FB5]  }
0x2c: {  	s7 =	sld [smem:$0x3FB6]  }
0x2d: {  	s3 =	simm.s32 $0x108;
	s8 =	sld [smem:$0x3FB7]  }
0x2e: {  	s3 =	simm.s32 @!p0 $0x1082;
	s9 =	sld [smem:$0x3FB8]  }
0x2f: {  	lr =	sadd.s32 s0, s3;
	s0 =	sld [smem:$0x3FAF]  }
0x30: {  	s3 =	sld [smem:$0x3FB2]  }
0x31: {  	[smem:$0x3FBB] =	sst s10  }
0x32: {  	s10 =	sld [smem:$0x3FB9];
	_ =	sdelay $0x3  }
0x33: {  	p0 =	seq.s32 s10, $0x1;
	s10 =	sld [smem:$0x3FBB];
	_ =	sdelay $0x3  }
0x34: {  	[smem:$0x3FBB] =	sst s10  }
0x35: {  	s10 =	sld [smem:$0x3FBA];
	_ =	sdelay $0x3  }
0x36: {  	p1 =	seq.s32 s10, $0x1;
	s10 =	sld [smem:$0x3FBB];
	_ =	sdelay $0x3  }
0x37: {  	[smem:$0x3FBB] =	sst s10  }
0x38: {  	s10 =	sld [smem:$0x3FBC]  }
0x39: {  	_ = 	snop;
	(pc) =	sbr.ind lr, $3  }
0x3a: {  	_ = 	snop  }
0x3b: {  	_ = 	snop  }
0x3c: {  	p2 =	seq.s32 s10, $0x1;
	s10 =	sld [smem:$0x3FBB]  }
0x3d: {  	_ =	shalt  }
0x3e: {  	_ =	shalt  }
0x3f: {  	_ =	shalt  }
0x40: {  	_ =	shalt  }
0x41: {  	_ =	shalt  }
0x42: {  	_ =	shalt  }
0x43: {  	_ =	shalt  }
0x44: {  	_ =	shalt  }
0x45: {  	_ =	shalt  }
0x46: {  	_ =	shalt  }
0x47: {  	_ =	shalt  }
0x48: {  	_ =	shalt  }
0x49: {  	_ =	shalt  }
0x4a: {  	_ =	shalt  }
0x4b: {  	_ =	shalt  }
0x4c: {  	_ =	shalt  }
0x4d: {  	_ =	shalt  }
0x4e: {  	_ =	shalt  }
0x4f: {  	_ =	shalt  }
0x50: {  	_ =	shalt  }
0x51: {  	_ =	shalt  }
0x52: {  	_ =	shalt  }
0x53: {  	_ =	shalt  }
0x54: {  	_ =	shalt  }
0x55: {  	_ =	shalt  }
0x56: {  	_ =	shalt  }
0x57: {  	_ =	shalt  }
0x58: {  	_ =	shalt  }
0x59: {  	_ =	shalt  }
0x5a: {  	_ =	shalt  }
0x5b: {  	_ =	shalt  }
0x5c: {  	_ =	shalt  }
0x5d: {  	_ =	shalt  }
0x5e: {  	_ =	shalt  }
0x5f: {  	_ =	shalt  }
0x60: {  	_ =	shalt  }
0x61: {  	_ =	shalt  }
0x62: {  	_ =	shalt  }
0x63: {  	_ =	shalt  }
0x64: {  	_ =	shalt  }
0x65: {  	_ =	shalt  }
0x66: {  	_ =	shalt  }
0x67: {  	_ =	shalt  }
0x68: {  	_ =	shalt  }
0x69: {  	_ =	shalt  }
0x6a: {  	_ =	shalt  }
0x6b: {  	_ =	shalt  }
0x6c: {  	_ =	shalt  }
0x6d: {  	_ =	shalt  }
0x6e: {  	_ =	shalt  }
0x6f: {  	_ =	shalt  }
0x70: {  	_ =	shalt  }
0x71: {  	_ =	shalt  }
0x72: {  	_ =	shalt  }
0x73: {  	_ =	shalt  }
0x74: {  	_ =	shalt  }
0x75: {  	_ =	shalt  }
0x76: {  	_ =	shalt  }
0x77: {  	_ =	shalt  }
0x78: {  	_ =	shalt  }
0x79: {  	_ =	shalt  }
0x7a: {  	_ =	shalt  }
0x7b: {  	_ =	shalt  }
0x7c: {  	_ =	shalt  }
0x7d: {  	_ =	shalt  }
0x7e: {  	_ =	shalt  }
0x7f: {  	_ =	shalt  }
0x80: {  	_ =	shalt  }
0x81: {  	_ =	shalt  }
0x82: {  	_ =	shalt  }
0x83: {  	_ =	shalt  }
0x84: {  	_ =	shalt  }
0x85: {  	_ =	shalt  }
0x86: {  	_ =	shalt  }
0x87: {  	_ =	shalt  }
.Lfunc_end0:
.L_simem_size_0:
called_computation_lowered:
.L_overlay_start_0:
0x88: {  	s2 =	sld [smem:$0x3FD9]  }
0x89: {  	s3 =	sld [smem:$0x3FFE];
	_ =	sdelay $0x1  }
0x8a: {  	s1 =	srdreg.scid  }
0x8b: {  	s0 =	sand.u32 $0x1, s1  }
0x8c: {  	s17 =	sshll.u32 s0, $0xA;
	s2 =	sadd.s32 s3, s2  }
0x8d: {  	s2 =	sadd.s32 s2, s17  }
0x8e: {  	[smem:$0x3FC7] =	sst s2  }
0x8f: {  	_ = 	snop  }
0x90: {  	s2 =	sld [smem:$0x3FC9];
	(tm) =	ssettm $0x1  }
0x91: {  	s18 =	sld [smem:$0x3FFB];
	_ =	sdelay $0x3  }
0x92: {  	_ =	strace s18  }
0x93: {  	s3 =	sld [smem:$0x3FFC];
	_ =	sdelay $0x3  }
0x94: {  	_ =	strace s3  }
0x95: {  	s3 =	sld [smem:$0x3FFD];
	_ =	sdelay $0x3  }
0x96: {  	_ =	strace s3  }
0x97: {  	_ =	strace $0x8FFFFFFF  }
0x98: {  	s19 =	sld [smem:$0x3FDB];
	_ =	sdelay $0x1  }
0x99: {  	s4 =	simm.s32 $_scs_section_size  }
0x9a: {  	s5 =	simm.s32 $_size__tile_overlayer_lowered;
	s6 =	simm.s32 $_tile_overlayer_lowered  }
0x9b: {  	s22 =	simm.s32 $0x1BFF;
	s21 =	sshll.u32 s6, $0x1;
	s3 =	sadd.s32 s4, s19  }
0x9c: {  	s7 =	simm.s32 $0x0;
	s20 =	sshll.u32 s5, $0x1;
	s5 =	sadd.s32 s21, s3  }
0x9d: {  	[timem:s7], [sflag:s22] =	dma.local [hbm:s5], s20  }
0x9e: {  	_ =	swait.ge [sflag:s22], s20  }
0x9f: {  	s4 =	ssub.s32 $0x0, s20;
	[sflag:s22] =	ssyncset.done $0x0  }
0xa0: {  	[sflag:s22] =	ssyncadd.s32 s4;
	_ =	sdelay $0x1  }
0xa1: {  	s23 =	simm.s32 $0x1B8B  }
0xa2: {  	_ =	swait.ge [sflag:s23], $0x1  }
0xa3: {  	[sflag:s23] =	ssyncset.done $0x0  }
0xa4: {  	s25 =	simm.s32 $0x1B8E;
	s24 =	sld [smem:$0x3FFE];
	[sflag:s23] =	ssyncadd.s32 $0xFFFFFFFF  }
0xa5: {  	s26 =	simm.s32 $execute0_lowered;
	[smem:$0x3FD2] =	sst s25  }
0xa6: {  	s5 =	sshll.u32 s26, $0x1;
	_ =	strace $0x80000046;
	[dreg:$0x1] =	wrdreg $0xFFFFFFFF  }
0xa7: {  	s28 =	simm.s32 $_size_execute0_lowered;
	s3 =	sadd.s32 s3, s5;
	[dreg:$0x0] =	wrdreg $0x0  }
0xa8: {  	s5 =	sshll.u32 s28, $0x1;
	[dreg:$0x2] =	wrdreg s3  }
0xa9: {  	[dreg:$0x3] =	wrdreg s5  }
0xaa: {  	[dreg:$0x4] =	wrdreg $0xC0  }
0xab: {  	_ =	task [dreg:s7], $0x5FFFF  }
0xac: {  	[dreg:$0x1] =	wrdreg $0xFFFFFFFF  }
0xad: {  	[dreg:$0x0] =	wrdreg $0x60  }
0xae: {  	[dreg:$0x2] =	wrdreg s2  }
0xaf: {  	[dreg:$0x3] =	wrdreg s24  }
0xb0: {  	[dreg:$0x4] =	wrdreg $0x9  }
0xb1: {  	_ =	task.clear_ibuf [dreg:s7], $0x5FFFF;
	_ =	strace $0x90000046  }
0xb2: {  	s29 =	simm.s32 $0x9;
	_ =	strace $0x80000048  }
0xb3: {  	_ =	swait.ge [sflag:s29], $0x1  }
0xb4: {  	[sflag:s29] =	ssyncadd.s32 $0xFFFFFFFF  }
0xb5: {  	_ =	strace $0x90000048  }
0xb6: {  	_ =	sfence  }
0xb7: {  	s30 =	sld [smem:$0x0];
	_ =	sdelay $0x2  }
0xb8: {  	s31 =	sshll.u32 s1, $0xD;
	s1 =	sshrl.u32 s1, $0x2  }
0xb9: {  	s3 =	sand.u32 $0x4000, s31;
	s1 =	sadd.s32 s1, s30  }
0xba: {  	s0 =	sor.u32 s3, s0;
	s1 =	sshll.u32 s1, $0x11  }
0xbb: {  	s0 =	sor.u32 s1, s0  }
0xbc: {  	s0 =	sadd.s32 $0x8F2B, s0  }
0xbd: {  	[sflag:s0] =	ssyncadd.remote.s32 $0x1  }
0xbe: {  	_ =	sfence.sel $0xFFFF  }
0xbf: {  	[dreg:$0x0] =	wrdreg $0xFFFFFFFF;
	(pc) =	sbr.abs _section_cstart, $3  }
0xc0: {  	[dreg:$0x1] =	wrdreg $0xFFFFFFFF  }
0xc1: {  	_ =	task.clear_ibuf [dreg:s7], $0x2FFFF;
	_ =	strace $0x9FFFFFFF  }
0xc2: {  	(tm) =	ssettm $0x7FFFFFFF  }
0xc3: {  	_ =	shalt  }
tec
execute0_lowered:
.L_overlay_start_1:
0x0: {  	(tag) =	ssettag $0x1  }
0x1: {  	s3 =	rddreg [dreg:$0x0]  }
0x2: {  	s4 =	rddreg [dreg:$0x1]  }
0x3: {  	s0 =	rddreg [dreg:$0x2];
	s5 =	srdreg.scid  }
0x4: {  	s1 =	stileid.u32;
	s2 =	simm.s32 $0x0;
	s9 =	simm.s32 $0x4000  }
0x5: {  	v1 =	vimm.s32 $0xEDCBA987;
	v0 =	vlaneseq.u32;
	s10 =	simm.s32 $0x8000;
	s11 =	simm.s32 $0xC000;
	s12 =	simm.s32 $0x1  }
0x6: {  	v3 =	vimm.s32 $0xFEDCBA9;
	v4 =	vimm.s32 $0x87654321;
	s13 =	simm.s32 $0x3F80;
	s14 =	simm.s32 $0x10000;
	s15 =	simm.s32 $0x2;
	v13 =	vimm.s32 $0x0  }
0x7: {  	s16 =	simm.s32 $0x7F80;
	s17 =	simm.s32 $0x3;
	s18 =	simm.s32 $0xBF80;
	v14 =	vimm.s32 $0x1;
	v2 =	vunpack.c.l.s4.s8 v1;
	v1 =	vimm.s32 $0x6543210F  }
0x8: {  	s19 =	simm.s32 $0x4;
	s20 =	simm.s32 $0xFF80;
	s21 =	simm.s32 $0x5;
	v3 =	vunpack.c.l.s4.s8 v3;
	v4 =	vunpack.c.l.s4.s8 v4;
	v5 =	vunpack.c.l.s4.s8 v1  }
0x9: {  	v15 =	vimm.s32 $0x2;
	s5 =	sand.u32 $0x1, s5;
	s6 =	sshll.u32 s1, $0x1;
	[smem:$0x7FF] =	sst s2;
	v1 =	vmul.u32 $0x8, v0;
	v6 =	vunpack.c.0.s8.s32 v2  }
0xa: {  	s22 =	simm.s32 $0x0;
	s6 =	sor.u32 s5, s6;
	_ =	strace $0x80000047;
	v8 =	vunpack.c.0.s8.s32 v3;
	v9 =	vunpack.c.0.s8.s32 v4;
	v7 =	vunpack.c.0.s8.s32 v5  }
0xb: {  	v16 =	vimm.s32 $0x3;
	s5 =	ssub.s32 $0x2, s5;
	s7 =	sshll.u32 s6, $0xD;
	s6 =	sshll.u32 s6, $0x4;
	v2 =	vor.u32 $0x1, v1;
	v3 =	vor.u32 $0x2, v1  }
0xc: {  	s8 =	sshrl.u32 s5, $0x1;
	s3 =	sadd.s32 s3, s7;
	s31 =	sadd.s32 s6, s4;
	v4 =	vor.u32 $0x3, v1;
	v6 =	vcombine.low v7, v6;
	v7 =	vcombine.low v9, v8  }
0xd: {  	s8 =	ssub.s32 s5, s8;
	v5 =	vor.u32 $0x4, v1;
	v10 =	vor.u32 $0x7, v1;
	s4 =	sadd.s32 $0x800, s3;
	s5 =	sadd.s32 $0x1000, s3;
	v8 =	vor.u32 $0x5, v1  }
0xe: {  	s6 =	sadd.s32 $0x1800, s3;
	s7 =	sadd.s32 $0x400, s31;
	s8 =	smax.u32 s8, $0x1;
	v9 =	vor.u32 $0x6, v1;
	v11 =	vand.u32 $0xF, v6;
	v12 =	vand.u32 $0xF, v7  }
.LBB2_1:
0xf: {  	[tilespmem:s2], [sflag:$0x1] =	stream.linear.gather [hbm4b:s3+s2], $0x4000, $0x38;
	[tilespmem:$0x10080] =	vst v63  }
0x10: {  	_ = 	snop  }
0x11: {  	[tilespmem:s9], [sflag:$0x2] =	stream.linear.gather [hbm4b:s4+s2], $0x4000, $0x38;
	[tilespmem:$0x10080] =	vst v63  }
0x12: {  	_ = 	snop  }
0x13: {  	[tilespmem:s10], [sflag:$0x3] =	stream.linear.gather [hbm4b:s5+s2], $0x4000, $0x38;
	[tilespmem:$0x10080] =	vst v63  }
0x14: {  	_ = 	snop  }
0x15: {  	[tilespmem:s11], [sflag:$0x4] =	stream.linear.gather [hbm4b:s6+s2], $0x4000, $0x38;
	[tilespmem:$0x10080] =	vst v63  }
0x16: {  	_ =	swait.ge [sflag:s12], $0x4000  }
0x17: {  	[sflag:s12] =	ssyncset.done $0x0  }
0x18: {  	[sflag:s12] =	ssyncadd.s32 $0xFFFFC000  }
0x19: {  	v17 =	vld.idx.msk [tilespmem:v1+s2+$0x0], $0xffff  }
0x1a: {  	v18 =	vld.idx.msk [tilespmem:v2+s2+$0x0], $0xffff  }
0x1b: {  	v19 =	vld.idx.msk [tilespmem:v3+s2+$0x0], $0xffff  }
0x1c: {  	v20 =	vld.idx.msk [tilespmem:v4+s2+$0x0], $0xffff  }
0x1d: {  	v21 =	vld.idx.msk [tilespmem:v5+s2+$0x0], $0xffff  }
0x1e: {  	v22 =	vld.idx.msk [tilespmem:v8+s2+$0x0], $0xffff  }
0x1f: {  	v26 =	vld.idx.msk [tilespmem:v9+s2+$0x0], $0xffff  }
0x20: {  	s23 =	simm.s32 $0xFFFFC100;
	v29 =	vld.idx.msk [tilespmem:v10+s2+$0x0], $0xffff  }
0x21: {  	v33 =	vld.idx.msk [tilespmem:v1+s23+$0x4000], $0xffff  }
0x22: {  	v35 =	vld.idx.msk [tilespmem:v2+s23+$0x4000], $0xffff  }
0x23: {  	v40 =	vld.idx.msk [tilespmem:v3+s23+$0x4000], $0xffff  }
0x24: {  	v41 =	vld.idx.msk [tilespmem:v4+s23+$0x4000], $0xffff  }
0x25: {  	v42 =	vld.idx.msk [tilespmem:v5+s23+$0x4000], $0xffff  }
0x26: {  	v43 =	vld.idx.msk [tilespmem:v9+s23+$0x4000], $0xffff  }
0x27: {  	v44 =	vld.idx.msk [tilespmem:v10+s23+$0x4000], $0xffff  }
0x28: {  	v45 =	vld.idx.msk [tilespmem:v2+s23+$0x3F80], $0xffff  }
0x29: {  	v46 =	vld.idx.msk [tilespmem:v3+s23+$0x3F80], $0xffff  }
0x2a: {  	v47 =	vld.idx.msk [tilespmem:v4+s23+$0x3F80], $0xffff  }
0x2b: {  	v36 =	vld.idx.msk [tilespmem:v5+s23+$0x3F80], $0xffff;
	v23 =	vand.u32 $0x7FFFFFFF, v17;
	v25 =	vand.u32 $0x7FFFFFFF, v18  }
0x2c: {  	v37 =	vld.idx.msk [tilespmem:v8+s23+$0x3F80], $0xffff;
	v24 =	vand.u32 $0x7FFFFFFF, v19;
	v31 =	vand.u32 $0x7FFFFFFF, v20;
	v28 =	vand.u32 $0x7FFFFFFF, v21  }
0x2d: {  	v38 =	vld.idx.msk [tilespmem:v9+s23+$0x3F80], $0xffff;
	v34 =	vand.u32 $0x7FFFFFFF, v22;
	v27 =	vand.u32 $0x7FFFFFFF, v26;
	v30 =	vand.u32 $0x7FFFFFFF, v29  }
0x2e: {  	v22 =	vand.u32 $0x7FFFFFFF, v33;
	v19 =	vand.u32 $0x7FFFFFFF, v35;
	v20 =	vand.u32 $0x7FFFFFFF, v40;
	v40 =	vld.idx.msk [tilespmem:v1+s23+$0x3F80], $0xffff  }
0x2f: {  	v17 =	vand.u32 $0x7FFFFFFF, v41;
	v18 =	vand.u32 $0x7FFFFFFF, v42;
	v26 =	vand.u32 $0x7FFFFFFF, v43  }
0x30: {  	v21 =	vand.u32 $0x7FFFFFFF, v44;
	v41 =	vld.idx.msk [tilespmem:v10+s23+$0x3F80], $0xffff;
	v29 =	vand.u32 $0x7FFFFFFF, v45;
	v35 =	vand.u32 $0x7FFFFFFF, v46  }
0x31: {  	s24 =	simm.s32 $0xFFFF0800;
	v33 =	vand.u32 $0x7FFFFFFF, v47;
	v32 =	vmin.f32 v25, v24;
	v39 =	vmin.f32 v31, v28  }
.LBB2_2:
0x32: {  	v36 =	vand.u32 $0x7FFFFFFF, v36;
	v37 =	vand.u32 $0x7FFFFFFF, v37  }
0x33: {  	p0 =	sne.s32 s24, $0xFFFFFC00;
	v42 =	vperm.xlane v23, v12;
	v40 =	vand.u32 $0x7FFFFFFF, v40;
	v38 =	vand.u32 $0x7FFFFFFF, v38  }
0x34: {  	v43 =	vperm.xlane v30, v11;
	vm0 =	veq.s32 v0, $0xF;
	vm1 =	veq.s32 v0, $0x0  }
0x35: {  	v39 =	vmin.f32 v39, v34;
	v41 =	vand.u32 $0x7FFFFFFF, v41;
	v42 =	vsel vm0, $0x7F800000, v42  }
0x36: {  	v44 =	vmin.f32 v24, v31;
	v39 =	vadd.f32 v36, v39;
	v43 =	vsel vm1, $0x7F800000, v43  }
0x37: {  	s25 =	sshra.s32 s24, $0x2;
	v31 =	vmin.f32 v32, v31;
	v32 =	vmin.f32 v28, v34;
	v34 =	vmin.f32 v34, v27  }
0x38: {  	v32 =	vmin.f32 v32, v27;
	v34 =	vmin.f32 v34, v30;
	v27 =	vmin.f32 v27, v30;
	v45 =	vld.idx.msk [tilespmem:v1+s25+$0x4000], $0xffff  }
0x39: {  	v47 =	vadd.f32 v37, v32;
	v34 =	vadd.f32 v38, v34;
	v27 =	vmin.f32 v27, v42;
	v46 =	vld.idx.msk [tilespmem:v2+s25+$0x4000], $0xffff  }
0x3a: {  	v30 =	vadd.f32 v35, v31;
	v28 =	vmin.f32 v44, v28;
	v27 =	vadd.f32 v27, v41;
	v42 =	vld.idx.msk [tilespmem:v3+s25+$0x4000], $0xffff  }
0x3b: {  	v28 =	vadd.f32 v33, v28;
	v31 =	vmin.f32 v43, v23;
	v32 =	vmin.f32 v47, v34;
	v35 =	vld.idx.msk [tilespmem:v4+s25+$0x4000], $0xffff  }
0x3c: {  	v23 =	vmin.f32 v23, v25;
	v31 =	vmin.f32 v31, v25;
	v25 =	vperm.xlane v27, v11;
	v33 =	vld.idx.msk [tilespmem:v5+s25+$0x4000], $0xffff  }
0x3d: {  	v23 =	vmin.f32 v23, v24;
	v31 =	vadd.f32 v31, v40;
	v24 =	vmin.f32 v34, v27;
	v41 =	vld.idx.msk [tilespmem:v8+s23+$0x4000], $0xffff;
	s23 =	smov.u32 s25  }
0x3e: {  	v23 =	vadd.f32 v29, v23;
	v27 =	vmin.f32 v32, v27;
	v25 =	vsel vm1, $0x7F800000, v25;
	v43 =	vld.idx.msk [tilespmem:v9+s23+$0x4000], $0xffff  }
0x3f: {  	v32 =	vperm.xlane v31, v12;
	v27 =	vadd.f32 v26, v27;
	v25 =	vmin.f32 v25, v31;
	v29 =	vld.idx.msk [tilespmem:v10+s23+$0x4000], $0xffff  }
0x40: {  	v26 =	vmin.f32 v31, v23;
	v31 =	vmin.f32 v23, v30;
	v25 =	vmin.f32 v25, v23;
	v44 =	vld.idx.msk [tilespmem:v2+s23+$0x3F80], $0xffff  }
0x41: {  	v32 =	vsel vm0, $0x7F800000, v32;
	v23 =	vadd.f32 v25, v22;
	v22 =	vmin.f32 v26, v30;
	v48 =	vld.idx.msk [tilespmem:v3+s23+$0x3F80], $0xffff  }
0x42: {  	v25 =	vadd.f32 v22, v19;
	v19 =	vmin.f32 v31, v28;
	v22 =	vmin.f32 v24, v32;
	v49 =	vld.idx.msk [tilespmem:v4+s23+$0x3F80], $0xffff  }
0x43: {  	v24 =	vadd.f32 v20, v19;
	v19 =	vmin.f32 v30, v28;
	v30 =	vadd.f32 v22, v21;
	v36 =	vld.idx.msk [tilespmem:v5+s23+$0x3F80], $0xffff  }
0x44: {  	v20 =	vmin.f32 v28, v39;
	v21 =	vmin.f32 v39, v47;
	v19 =	vmin.f32 v19, v39;
	v37 =	vld.idx.msk [tilespmem:v8+s23+$0x3F80], $0xffff  }
0x45: {  	v20 =	vmin.f32 v20, v47;
	v21 =	vmin.f32 v21, v34;
	v32 =	vmin.f32 v25, v24;
	v38 =	vld.idx.msk [tilespmem:v9+s23+$0x3F80], $0xffff  }
.Ltmp0:
0x46: {  	v26 =	vand.u32 $0x7FFFFFFF, v41;
	v31 =	vadd.f32 v17, v19;
	v28 =	vadd.f32 v18, v20;
	v40 =	vld.idx.msk [tilespmem:v1+s23+$0x3F80], $0xffff;
	(pc) =	sbr.rel @p0 .LBB2_2-.Ltmp0, $4  }
0x47: {  	v22 =	vand.u32 $0x7FFFFFFF, v45;
	v19 =	vand.u32 $0x7FFFFFFF, v46;
	v34 =	vadd.f32 v26, v21;
	v41 =	vld.idx.msk [tilespmem:v10+s23+$0x3F80], $0xffff  }
0x48: {  	v20 =	vand.u32 $0x7FFFFFFF, v42;
	v17 =	vand.u32 $0x7FFFFFFF, v35;
	v39 =	vmin.f32 v31, v28  }
0x49: {  	v18 =	vand.u32 $0x7FFFFFFF, v33;
	v26 =	vand.u32 $0x7FFFFFFF, v43;
	v21 =	vand.u32 $0x7FFFFFFF, v29  }
0x4a: {  	s24 =	sadd.s32 $0x400, s24;
	v29 =	vand.u32 $0x7FFFFFFF, v44;
	v35 =	vand.u32 $0x7FFFFFFF, v48;
	v33 =	vand.u32 $0x7FFFFFFF, v49  }
0x4b: {  	v36 =	vand.u32 $0x7FFFFFFF, v36;
	v37 =	vand.u32 $0x7FFFFFFF, v37;
	v42 =	vperm.xlane v23, v12  }
0x4c: {  	v43 =	vperm.xlane v30, v11;
	v40 =	vand.u32 $0x7FFFFFFF, v40;
	v38 =	vand.u32 $0x7FFFFFFF, v38  }
0x4d: {  	v39 =	vmin.f32 v39, v34;
	v44 =	vmin.f32 v24, v31;
	v47 =	vmin.f32 v28, v34  }
0x4e: {  	v48 =	vmin.f32 v34, v27;
	v31 =	vmin.f32 v32, v31;
	v41 =	vand.u32 $0x7FFFFFFF, v41  }
0x4f: {  	v36 =	vadd.f32 v36, v39;
	v39 =	vmin.f32 v47, v27;
	v27 =	vmin.f32 v27, v30  }
0x50: {  	v30 =	vmin.f32 v48, v30;
	v31 =	vadd.f32 v35, v31;
	v42 =	vsel vm0, $0x7F800000, v42  }
0x51: {  	v53 =	vld.idx.msk [tilespmem:v3+s13+$0x0], $0xffff;
	v28 =	vmin.f32 v44, v28;
	v49 =	vadd.f32 v37, v39;
	v27 =	vmin.f32 v27, v42  }
0x52: {  	v43 =	vsel vm1, $0x7F800000, v43;
	v30 =	vadd.f32 v38, v30;
	v27 =	vadd.f32 v27, v41  }
0x53: {  	v28 =	vadd.f32 v33, v28;
	v50 =	vmin.f32 v43, v23;
	v23 =	vmin.f32 v23, v25  }
0x54: {  	v32 =	vmin.f32 v50, v25;
	v23 =	vmin.f32 v23, v24;
	v25 =	vperm.xlane v27, v11  }
0x55: {  	v24 =	vmin.f32 v49, v30;
	v32 =	vadd.f32 v32, v40;
	v23 =	vadd.f32 v29, v23  }
0x56: {  	v55 =	vand.u32 $0x7FFFFFFF, v53;
	v24 =	vmin.f32 v24, v27;
	v25 =	vsel vm1, $0x7F800000, v25  }
0x57: {  	v51 =	vld.idx.msk [tilespmem:v8+s23+$0x4000], $0xffff;
	v27 =	vmin.f32 v30, v27;
	v29 =	vperm.xlane v32, v12;
	v25 =	vmin.f32 v25, v32  }
0x58: {  	v52 =	vld.idx.msk [tilespmem:v1+s13+$0x0], $0xffff;
	v24 =	vadd.f32 v26, v24;
	v32 =	vmin.f32 v32, v23;
	v25 =	vmin.f32 v25, v23  }
0x59: {  	v54 =	vld.idx.msk [tilespmem:v4+s13+$0x0], $0xffff;
	v23 =	vmin.f32 v23, v31;
	v22 =	vadd.f32 v25, v22;
	v25 =	vmin.f32 v32, v31  }
0x5a: {  	v26 =	vld.idx.msk [tilespmem:v2+s13+$0x0], $0xffff;
	v29 =	vsel vm0, $0x7F800000, v29;
	v23 =	vmin.f32 v23, v28;
	v19 =	vadd.f32 v25, v19  }
0x5b: {  	v25 =	vmin.f32 v27, v29;
	v20 =	vadd.f32 v20, v23;
	v23 =	vld.idx.msk [tilespmem:v5+s13+$0x0], $0xffff;
	v27 =	vmin.f32 v31, v28  }
0x5c: {  	v29 =	vmin.f32 v36, v49;
	v31 =	vld.idx.msk [tilespmem:v9+s13+$0x0], $0xffff;
	v21 =	vadd.f32 v25, v21;
	v25 =	vmin.f32 v28, v36  }
0x5d: {  	v28 =	vld.idx.msk [tilespmem:v8+s13+$0x0], $0xffff;
	v27 =	vmin.f32 v27, v36;
	v29 =	vmin.f32 v29, v30;
	v30 =	vand.u32 $0x7FFFFFFF, v51  }
0x5e: {  	v56 =	vperm.xlane v22, v7;
	v25 =	vmin.f32 v25, v49;
	v17 =	vadd.f32 v17, v27;
	v27 =	vld.idx.msk [tilespmem:v10+s13+$0x0], $0xffff  }
0x5f: {  	v18 =	vadd.f32 v18, v25;
	v25 =	vadd.f32 v30, v29;
	v30 =	vperm.xlane v21, v6  }
0x60: {  	v32 =	vand.u32 $0x7FFFFFFF, v54;
	v26 =	vand.u32 $0x7FFFFFFF, v26;
	v29 =	vand.u32 $0x7FFFFFFF, v52  }
0x61: {  	v34 =	vsel vm0, $0x7F800000, v56;
	v23 =	vand.u32 $0x7FFFFFFF, v23;
	v30 =	vsel vm1, $0x7F800000, v30  }
0x62: {  	v31 =	vand.u32 $0x7FFFFFFF, v31;
	v28 =	vand.u32 $0x7FFFFFFF, v28;
	v30 =	vmin.f32 v30, v22  }
0x63: {  	v22 =	vmin.f32 v22, v19;
	v27 =	vand.u32 $0x7FFFFFFF, v27;
	v30 =	vmin.f32 v30, v19  }
0x64: {  	v22 =	vmin.f32 v22, v20;
	v19 =	vmin.f32 v19, v20;
	v20 =	vmin.f32 v20, v17  }
0x65: {  	v29 =	vadd.f32 v30, v29;
	v22 =	vadd.f32 v26, v22;
	v19 =	vmin.f32 v19, v17  }
0x66: {  	v20 =	vmin.f32 v20, v18;
	v17 =	vmin.f32 v17, v18;
	v18 =	vmin.f32 v18, v25  }
0x67: {  	v19 =	vadd.f32 v55, v19;
	v20 =	vadd.f32 v32, v20;
	v17 =	vmin.f32 v17, v25  }
0x68: {  	v18 =	vmin.f32 v18, v24;
	v17 =	vadd.f32 v23, v17;
	v22 =	vmin.f32 v29, v22  }
0x69: {  	v18 =	vadd.f32 v28, v18;
	v23 =	vmin.f32 v25, v24;
	v19 =	vmin.f32 v22, v19  }
0x6a: {  	v22 =	vmin.f32 v23, v21;
	v21 =	vmin.f32 v24, v21;
	v19 =	vmin.f32 v19, v20  }
0x6b: {  	v20 =	vadd.f32 v31, v22;
	v21 =	vmin.f32 v21, v34;
	v17 =	vmin.f32 v19, v17  }
0x6c: {  	v19 =	vadd.f32 v21, v27;
	v17 =	vmin.f32 v17, v18  }
0x6d: {  	v17 =	vmin.f32 v17, v20  }
0x6e: {  	v17 =	vmin.f32 v17, v19  }
0x6f: {  	(xrf0) =	vmin.scan.msk.f32 $0xffff, v17;
	_ =	sdelay $0x5  }
0x70: {  	v17, _, _ =	vpop (xrf0)  }
0x71: {  	v17 =	vbroadcast v17, $0xF;
	_ =	sdelay $0x1  }
0x72: {  	[tilespmem:v13+s14+$0x0] =	vst.idx.msk $0x1, v17  }
0x73: {  	_ =	swait.ge [sflag:s15], $0x4000  }
0x74: {  	[sflag:s15] =	ssyncset.done $0x0  }
0x75: {  	[sflag:s15] =	ssyncadd.s32 $0xFFFFC000  }
0x76: {  	v17 =	vld.idx.msk [tilespmem:v1+s9+$0x0], $0xffff  }
0x77: {  	v18 =	vld.idx.msk [tilespmem:v2+s9+$0x0], $0xffff  }
0x78: {  	v19 =	vld.idx.msk [tilespmem:v3+s9+$0x0], $0xffff  }
0x79: {  	v20 =	vld.idx.msk [tilespmem:v4+s9+$0x0], $0xffff  }
0x7a: {  	v21 =	vld.idx.msk [tilespmem:v5+s9+$0x0], $0xffff  }
0x7b: {  	v22 =	vld.idx.msk [tilespmem:v8+s9+$0x0], $0xffff  }
0x7c: {  	v26 =	vld.idx.msk [tilespmem:v9+s9+$0x0], $0xffff  }
0x7d: {  	s23 =	simm.s32 $0xFFFFC100;
	v29 =	vld.idx.msk [tilespmem:v10+s9+$0x0], $0xffff  }
0x7e: {  	v57 =	vld.idx.msk [tilespmem:v1+s23+$0x8000], $0xffff  }
0x7f: {  	v58 =	vld.idx.msk [tilespmem:v2+s23+$0x8000], $0xffff  }
0x80: {  	v59 =	vld.idx.msk [tilespmem:v3+s23+$0x8000], $0xffff  }
0x81: {  	v60 =	vld.idx.msk [tilespmem:v4+s23+$0x8000], $0xffff  }
0x82: {  	v61 =	vld.idx.msk [tilespmem:v5+s23+$0x8000], $0xffff  }
0x83: {  	v62 =	vld.idx.msk [tilespmem:v9+s23+$0x8000], $0xffff  }
0x84: {  	v63 =	vld.idx.msk [tilespmem:v10+s23+$0x8000], $0xffff  }
0x85: {  	v45 =	vld.idx.msk [tilespmem:v2+s23+$0x7F80], $0xffff  }
0x86: {  	v46 =	vld.idx.msk [tilespmem:v3+s23+$0x7F80], $0xffff  }
0x87: {  	v47 =	vld.idx.msk [tilespmem:v4+s23+$0x7F80], $0xffff  }
0x88: {  	v36 =	vld.idx.msk [tilespmem:v5+s23+$0x7F80], $0xffff;
	v23 =	vand.u32 $0x7FFFFFFF, v17;
	v25 =	vand.u32 $0x7FFFFFFF, v18  }
0x89: {  	v37 =	vld.idx.msk [tilespmem:v8+s23+$0x7F80], $0xffff;
	v24 =	vand.u32 $0x7FFFFFFF, v19;
	v31 =	vand.u32 $0x7FFFFFFF, v20;
	v28 =	vand.u32 $0x7FFFFFFF, v21  }
0x8a: {  	v38 =	vld.idx.msk [tilespmem:v9+s23+$0x7F80], $0xffff;
	v34 =	vand.u32 $0x7FFFFFFF, v22;
	v27 =	vand.u32 $0x7FFFFFFF, v26;
	v30 =	vand.u32 $0x7FFFFFFF, v29  }
0x8b: {  	v40 =	vld.idx.msk [tilespmem:v1+s23+$0x7F80], $0xffff;
	v22 =	vand.u32 $0x7FFFFFFF, v57;
	v19 =	vand.u32 $0x7FFFFFFF, v58;
	v20 =	vand.u32 $0x7FFFFFFF, v59  }
0x8c: {  	v17 =	vand.u32 $0x7FFFFFFF, v60;
	v18 =	vand.u32 $0x7FFFFFFF, v61;
	v26 =	vand.u32 $0x7FFFFFFF, v62  }
0x8d: {  	v41 =	vld.idx.msk [tilespmem:v10+s23+$0x7F80], $0xffff;
	v21 =	vand.u32 $0x7FFFFFFF, v63;
	v29 =	vand.u32 $0x7FFFFFFF, v45;
	v35 =	vand.u32 $0x7FFFFFFF, v46  }
0x8e: {  	s24 =	simm.s32 $0xFFFF0800;
	v33 =	vand.u32 $0x7FFFFFFF, v47;
	v32 =	vmin.f32 v25, v24;
	v39 =	vmin.f32 v31, v28  }
.LBB2_4:
0x8f: {  	v36 =	vand.u32 $0x7FFFFFFF, v36;
	v37 =	vand.u32 $0x7FFFFFFF, v37  }
0x90: {  	p0 =	sne.s32 s24, $0xFFFFFC00;
	v42 =	vperm.xlane v23, v12;
	v40 =	vand.u32 $0x7FFFFFFF, v40;
	v38 =	vand.u32 $0x7FFFFFFF, v38  }
0x91: {  	v43 =	vperm.xlane v30, v11;
	vm0 =	veq.s32 v0, $0xF;
	vm1 =	veq.s32 v0, $0x0  }
0x92: {  	v39 =	vmin.f32 v39, v34;
	v41 =	vand.u32 $0x7FFFFFFF, v41;
	v42 =	vsel vm0, $0x7F800000, v42  }
0x93: {  	v44 =	vmin.f32 v24, v31;
	v39 =	vadd.f32 v36, v39;
	v43 =	vsel vm1, $0x7F800000, v43  }
0x94: {  	s25 =	sshra.s32 s24, $0x2;
	v31 =	vmin.f32 v32, v31;
	v32 =	vmin.f32 v28, v34;
	v34 =	vmin.f32 v34, v27  }
0x95: {  	v32 =	vmin.f32 v32, v27;
	v34 =	vmin.f32 v34, v30;
	v27 =	vmin.f32 v27, v30;
	v45 =	vld.idx.msk [tilespmem:v1+s25+$0x8000], $0xffff  }
0x96: {  	v47 =	vadd.f32 v37, v32;
	v34 =	vadd.f32 v38, v34;
	v27 =	vmin.f32 v27, v42;
	v46 =	vld.idx.msk [tilespmem:v2+s25+$0x8000], $0xffff  }
0x97: {  	v30 =	vadd.f32 v35, v31;
	v28 =	vmin.f32 v44, v28;
	v27 =	vadd.f32 v27, v41;
	v42 =	vld.idx.msk [tilespmem:v3+s25+$0x8000], $0xffff  }
0x98: {  	v28 =	vadd.f32 v33, v28;
	v31 =	vmin.f32 v43, v23;
	v32 =	vmin.f32 v47, v34;
	v35 =	vld.idx.msk [tilespmem:v4+s25+$0x8000], $0xffff  }
0x99: {  	v23 =	vmin.f32 v23, v25;
	v31 =	vmin.f32 v31, v25;
	v25 =	vperm.xlane v27, v11;
	v33 =	vld.idx.msk [tilespmem:v5+s25+$0x8000], $0xffff  }
0x9a: {  	v23 =	vmin.f32 v23, v24;
	v31 =	vadd.f32 v31, v40;
	v24 =	vmin.f32 v34, v27;
	v41 =	vld.idx.msk [tilespmem:v8+s23+$0x8000], $0xffff;
	s23 =	smov.u32 s25  }
0x9b: {  	v23 =	vadd.f32 v29, v23;
	v27 =	vmin.f32 v32, v27;
	v25 =	vsel vm1, $0x7F800000, v25;
	v43 =	vld.idx.msk [tilespmem:v9+s23+$0x8000], $0xffff  }
0x9c: {  	v32 =	vperm.xlane v31, v12;
	v27 =	vadd.f32 v26, v27;
	v25 =	vmin.f32 v25, v31;
	v29 =	vld.idx.msk [tilespmem:v10+s23+$0x8000], $0xffff  }
0x9d: {  	v26 =	vmin.f32 v31, v23;
	v31 =	vmin.f32 v23, v30;
	v25 =	vmin.f32 v25, v23;
	v44 =	vld.idx.msk [tilespmem:v2+s23+$0x7F80], $0xffff  }
0x9e: {  	v32 =	vsel vm0, $0x7F800000, v32;
	v23 =	vadd.f32 v25, v22;
	v22 =	vmin.f32 v26, v30;
	v48 =	vld.idx.msk [tilespmem:v3+s23+$0x7F80], $0xffff  }
0x9f: {  	v25 =	vadd.f32 v22, v19;
	v19 =	vmin.f32 v31, v28;
	v22 =	vmin.f32 v24, v32;
	v49 =	vld.idx.msk [tilespmem:v4+s23+$0x7F80], $0xffff  }
0xa0: {  	v24 =	vadd.f32 v20, v19;
	v19 =	vmin.f32 v30, v28;
	v30 =	vadd.f32 v22, v21;
	v36 =	vld.idx.msk [tilespmem:v5+s23+$0x7F80], $0xffff  }
0xa1: {  	v20 =	vmin.f32 v28, v39;
	v21 =	vmin.f32 v39, v47;
	v19 =	vmin.f32 v19, v39;
	v37 =	vld.idx.msk [tilespmem:v8+s23+$0x7F80], $0xffff  }
0xa2: {  	v20 =	vmin.f32 v20, v47;
	v21 =	vmin.f32 v21, v34;
	v32 =	vmin.f32 v25, v24;
	v38 =	vld.idx.msk [tilespmem:v9+s23+$0x7F80], $0xffff  }
.Ltmp1:
0xa3: {  	v26 =	vand.u32 $0x7FFFFFFF, v41;
	v31 =	vadd.f32 v17, v19;
	v28 =	vadd.f32 v18, v20;
	v40 =	vld.idx.msk [tilespmem:v1+s23+$0x7F80], $0xffff;
	(pc) =	sbr.rel @p0 .LBB2_4-.Ltmp1, $4  }
0xa4: {  	v22 =	vand.u32 $0x7FFFFFFF, v45;
	v19 =	vand.u32 $0x7FFFFFFF, v46;
	v34 =	vadd.f32 v26, v21;
	v41 =	vld.idx.msk [tilespmem:v10+s23+$0x7F80], $0xffff  }
0xa5: {  	v20 =	vand.u32 $0x7FFFFFFF, v42;
	v17 =	vand.u32 $0x7FFFFFFF, v35;
	v39 =	vmin.f32 v31, v28  }
0xa6: {  	v18 =	vand.u32 $0x7FFFFFFF, v33;
	v26 =	vand.u32 $0x7FFFFFFF, v43;
	v21 =	vand.u32 $0x7FFFFFFF, v29  }
0xa7: {  	s24 =	sadd.s32 $0x400, s24;
	v29 =	vand.u32 $0x7FFFFFFF, v44;
	v35 =	vand.u32 $0x7FFFFFFF, v48;
	v33 =	vand.u32 $0x7FFFFFFF, v49  }
0xa8: {  	v36 =	vand.u32 $0x7FFFFFFF, v36;
	v37 =	vand.u32 $0x7FFFFFFF, v37;
	v42 =	vperm.xlane v23, v12  }
0xa9: {  	v43 =	vperm.xlane v30, v11;
	v40 =	vand.u32 $0x7FFFFFFF, v40;
	v38 =	vand.u32 $0x7FFFFFFF, v38  }
0xaa: {  	v39 =	vmin.f32 v39, v34;
	v44 =	vmin.f32 v24, v31;
	v47 =	vmin.f32 v28, v34  }
0xab: {  	v48 =	vmin.f32 v34, v27;
	v31 =	vmin.f32 v32, v31;
	v41 =	vand.u32 $0x7FFFFFFF, v41  }
0xac: {  	v36 =	vadd.f32 v36, v39;
	v39 =	vmin.f32 v47, v27;
	v27 =	vmin.f32 v27, v30  }
0xad: {  	v30 =	vmin.f32 v48, v30;
	v31 =	vadd.f32 v35, v31;
	v42 =	vsel vm0, $0x7F800000, v42  }
0xae: {  	v53 =	vld.idx.msk [tilespmem:v3+s16+$0x0], $0xffff;
	v28 =	vmin.f32 v44, v28;
	v49 =	vadd.f32 v37, v39;
	v27 =	vmin.f32 v27, v42  }
0xaf: {  	v43 =	vsel vm1, $0x7F800000, v43;
	v30 =	vadd.f32 v38, v30;
	v27 =	vadd.f32 v27, v41  }
0xb0: {  	v28 =	vadd.f32 v33, v28;
	v50 =	vmin.f32 v43, v23;
	v23 =	vmin.f32 v23, v25  }
0xb1: {  	v32 =	vmin.f32 v50, v25;
	v23 =	vmin.f32 v23, v24;
	v25 =	vperm.xlane v27, v11  }
0xb2: {  	v24 =	vmin.f32 v49, v30;
	v32 =	vadd.f32 v32, v40;
	v23 =	vadd.f32 v29, v23  }
0xb3: {  	v55 =	vand.u32 $0x7FFFFFFF, v53;
	v24 =	vmin.f32 v24, v27;
	v25 =	vsel vm1, $0x7F800000, v25  }
0xb4: {  	v51 =	vld.idx.msk [tilespmem:v8+s23+$0x8000], $0xffff;
	v27 =	vmin.f32 v30, v27;
	v29 =	vperm.xlane v32, v12;
	v25 =	vmin.f32 v25, v32  }
0xb5: {  	v52 =	vld.idx.msk [tilespmem:v1+s16+$0x0], $0xffff;
	v24 =	vadd.f32 v26, v24;
	v32 =	vmin.f32 v32, v23;
	v25 =	vmin.f32 v25, v23  }
0xb6: {  	v54 =	vld.idx.msk [tilespmem:v4+s16+$0x0], $0xffff;
	v23 =	vmin.f32 v23, v31;
	v22 =	vadd.f32 v25, v22;
	v25 =	vmin.f32 v32, v31  }
0xb7: {  	v26 =	vld.idx.msk [tilespmem:v2+s16+$0x0], $0xffff;
	v29 =	vsel vm0, $0x7F800000, v29;
	v23 =	vmin.f32 v23, v28;
	v19 =	vadd.f32 v25, v19  }
0xb8: {  	v25 =	vmin.f32 v27, v29;
	v20 =	vadd.f32 v20, v23;
	v23 =	vld.idx.msk [tilespmem:v5+s16+$0x0], $0xffff;
	v27 =	vmin.f32 v31, v28  }
0xb9: {  	v29 =	vmin.f32 v36, v49;
	v31 =	vld.idx.msk [tilespmem:v9+s16+$0x0], $0xffff;
	v21 =	vadd.f32 v25, v21;
	v25 =	vmin.f32 v28, v36  }
0xba: {  	v28 =	vld.idx.msk [tilespmem:v8+s16+$0x0], $0xffff;
	v27 =	vmin.f32 v27, v36;
	v29 =	vmin.f32 v29, v30;
	v30 =	vand.u32 $0x7FFFFFFF, v51  }
0xbb: {  	v56 =	vperm.xlane v22, v7;
	v25 =	vmin.f32 v25, v49;
	v17 =	vadd.f32 v17, v27;
	v27 =	vld.idx.msk [tilespmem:v10+s16+$0x0], $0xffff  }
0xbc: {  	v18 =	vadd.f32 v18, v25;
	v25 =	vadd.f32 v30, v29;
	v30 =	vperm.xlane v21, v6  }
0xbd: {  	v32 =	vand.u32 $0x7FFFFFFF, v54;
	v26 =	vand.u32 $0x7FFFFFFF, v26;
	v29 =	vand.u32 $0x7FFFFFFF, v52  }
0xbe: {  	v34 =	vsel vm0, $0x7F800000, v56;
	v23 =	vand.u32 $0x7FFFFFFF, v23;
	v30 =	vsel vm1, $0x7F800000, v30  }
0xbf: {  	v31 =	vand.u32 $0x7FFFFFFF, v31;
	v28 =	vand.u32 $0x7FFFFFFF, v28;
	v30 =	vmin.f32 v30, v22  }
0xc0: {  	v22 =	vmin.f32 v22, v19;
	v27 =	vand.u32 $0x7FFFFFFF, v27;
	v30 =	vmin.f32 v30, v19  }
0xc1: {  	v22 =	vmin.f32 v22, v20;
	v19 =	vmin.f32 v19, v20;
	v20 =	vmin.f32 v20, v17  }
0xc2: {  	v29 =	vadd.f32 v30, v29;
	v22 =	vadd.f32 v26, v22;
	v19 =	vmin.f32 v19, v17  }
0xc3: {  	v20 =	vmin.f32 v20, v18;
	v17 =	vmin.f32 v17, v18;
	v18 =	vmin.f32 v18, v25  }
0xc4: {  	v19 =	vadd.f32 v55, v19;
	v20 =	vadd.f32 v32, v20;
	v17 =	vmin.f32 v17, v25  }
0xc5: {  	v18 =	vmin.f32 v18, v24;
	v17 =	vadd.f32 v23, v17;
	v22 =	vmin.f32 v29, v22  }
0xc6: {  	v18 =	vadd.f32 v28, v18;
	v23 =	vmin.f32 v25, v24;
	v19 =	vmin.f32 v22, v19  }
0xc7: {  	v22 =	vmin.f32 v23, v21;
	v21 =	vmin.f32 v24, v21;
	v19 =	vmin.f32 v19, v20  }
0xc8: {  	v20 =	vadd.f32 v31, v22;
	v21 =	vmin.f32 v21, v34;
	v17 =	vmin.f32 v19, v17  }
0xc9: {  	v19 =	vadd.f32 v21, v27;
	v17 =	vmin.f32 v17, v18  }
0xca: {  	v17 =	vmin.f32 v17, v20  }
0xcb: {  	v17 =	vmin.f32 v17, v19  }
0xcc: {  	(xrf0) =	vmin.scan.msk.f32 $0xffff, v17;
	_ =	sdelay $0x5  }
0xcd: {  	v17, _, _ =	vpop (xrf0)  }
0xce: {  	v17 =	vbroadcast v17, $0xF;
	_ =	sdelay $0x1  }
0xcf: {  	[tilespmem:v14+s14+$0x0] =	vst.idx.msk $0x1, v17  }
0xd0: {  	_ =	swait.ge [sflag:s17], $0x4000  }
0xd1: {  	[sflag:s17] =	ssyncset.done $0x0  }
0xd2: {  	[sflag:s17] =	ssyncadd.s32 $0xFFFFC000  }
0xd3: {  	v17 =	vld.idx.msk [tilespmem:v1+s10+$0x0], $0xffff  }
0xd4: {  	v18 =	vld.idx.msk [tilespmem:v2+s10+$0x0], $0xffff  }
0xd5: {  	v19 =	vld.idx.msk [tilespmem:v3+s10+$0x0], $0xffff  }
0xd6: {  	v20 =	vld.idx.msk [tilespmem:v4+s10+$0x0], $0xffff  }
0xd7: {  	v21 =	vld.idx.msk [tilespmem:v5+s10+$0x0], $0xffff  }
0xd8: {  	v22 =	vld.idx.msk [tilespmem:v8+s10+$0x0], $0xffff  }
0xd9: {  	v26 =	vld.idx.msk [tilespmem:v9+s10+$0x0], $0xffff  }
0xda: {  	s23 =	simm.s32 $0xFFFFC100;
	v29 =	vld.idx.msk [tilespmem:v10+s10+$0x0], $0xffff  }
0xdb: {  	v57 =	vld.idx.msk [tilespmem:v1+s23+$0xC000], $0xffff  }
0xdc: {  	v58 =	vld.idx.msk [tilespmem:v2+s23+$0xC000], $0xffff  }
0xdd: {  	v59 =	vld.idx.msk [tilespmem:v3+s23+$0xC000], $0xffff  }
0xde: {  	v60 =	vld.idx.msk [tilespmem:v4+s23+$0xC000], $0xffff  }
0xdf: {  	v61 =	vld.idx.msk [tilespmem:v5+s23+$0xC000], $0xffff  }
0xe0: {  	v62 =	vld.idx.msk [tilespmem:v9+s23+$0xC000], $0xffff  }
0xe1: {  	v63 =	vld.idx.msk [tilespmem:v10+s23+$0xC000], $0xffff  }
0xe2: {  	v45 =	vld.idx.msk [tilespmem:v2+s23+$0xBF80], $0xffff  }
0xe3: {  	v46 =	vld.idx.msk [tilespmem:v3+s23+$0xBF80], $0xffff  }
0xe4: {  	v47 =	vld.idx.msk [tilespmem:v4+s23+$0xBF80], $0xffff  }
0xe5: {  	v36 =	vld.idx.msk [tilespmem:v5+s23+$0xBF80], $0xffff;
	v23 =	vand.u32 $0x7FFFFFFF, v17;
	v25 =	vand.u32 $0x7FFFFFFF, v18  }
0xe6: {  	v37 =	vld.idx.msk [tilespmem:v8+s23+$0xBF80], $0xffff;
	v24 =	vand.u32 $0x7FFFFFFF, v19;
	v31 =	vand.u32 $0x7FFFFFFF, v20;
	v28 =	vand.u32 $0x7FFFFFFF, v21  }
0xe7: {  	v38 =	vld.idx.msk [tilespmem:v9+s23+$0xBF80], $0xffff;
	v34 =	vand.u32 $0x7FFFFFFF, v22;
	v27 =	vand.u32 $0x7FFFFFFF, v26;
	v30 =	vand.u32 $0x7FFFFFFF, v29  }
0xe8: {  	v40 =	vld.idx.msk [tilespmem:v1+s23+$0xBF80], $0xffff;
	v22 =	vand.u32 $0x7FFFFFFF, v57;
	v19 =	vand.u32 $0x7FFFFFFF, v58;
	v20 =	vand.u32 $0x7FFFFFFF, v59  }
0xe9: {  	v17 =	vand.u32 $0x7FFFFFFF, v60;
	v18 =	vand.u32 $0x7FFFFFFF, v61;
	v26 =	vand.u32 $0x7FFFFFFF, v62  }
0xea: {  	v41 =	vld.idx.msk [tilespmem:v10+s23+$0xBF80], $0xffff;
	v21 =	vand.u32 $0x7FFFFFFF, v63;
	v29 =	vand.u32 $0x7FFFFFFF, v45;
	v35 =	vand.u32 $0x7FFFFFFF, v46  }
0xeb: {  	s24 =	simm.s32 $0xFFFF0800;
	v33 =	vand.u32 $0x7FFFFFFF, v47;
	v32 =	vmin.f32 v25, v24;
	v39 =	vmin.f32 v31, v28  }
.LBB2_6:
0xec: {  	v36 =	vand.u32 $0x7FFFFFFF, v36;
	v37 =	vand.u32 $0x7FFFFFFF, v37  }
0xed: {  	p0 =	sne.s32 s24, $0xFFFFFC00;
	v42 =	vperm.xlane v23, v12;
	v40 =	vand.u32 $0x7FFFFFFF, v40;
	v38 =	vand.u32 $0x7FFFFFFF, v38  }
0xee: {  	v43 =	vperm.xlane v30, v11;
	vm0 =	veq.s32 v0, $0xF;
	vm1 =	veq.s32 v0, $0x0  }
0xef: {  	v39 =	vmin.f32 v39, v34;
	v41 =	vand.u32 $0x7FFFFFFF, v41;
	v42 =	vsel vm0, $0x7F800000, v42  }
0xf0: {  	v44 =	vmin.f32 v24, v31;
	v39 =	vadd.f32 v36, v39;
	v43 =	vsel vm1, $0x7F800000, v43  }
0xf1: {  	s25 =	sshra.s32 s24, $0x2;
	v31 =	vmin.f32 v32, v31;
	v32 =	vmin.f32 v28, v34;
	v34 =	vmin.f32 v34, v27  }
0xf2: {  	v32 =	vmin.f32 v32, v27;
	v34 =	vmin.f32 v34, v30;
	v27 =	vmin.f32 v27, v30;
	v45 =	vld.idx.msk [tilespmem:v1+s25+$0xC000], $0xffff  }
0xf3: {  	v47 =	vadd.f32 v37, v32;
	v34 =	vadd.f32 v38, v34;
	v27 =	vmin.f32 v27, v42;
	v46 =	vld.idx.msk [tilespmem:v2+s25+$0xC000], $0xffff  }
0xf4: {  	v30 =	vadd.f32 v35, v31;
	v28 =	vmin.f32 v44, v28;
	v27 =	vadd.f32 v27, v41;
	v42 =	vld.idx.msk [tilespmem:v3+s25+$0xC000], $0xffff  }
0xf5: {  	v28 =	vadd.f32 v33, v28;
	v31 =	vmin.f32 v43, v23;
	v32 =	vmin.f32 v47, v34;
	v35 =	vld.idx.msk [tilespmem:v4+s25+$0xC000], $0xffff  }
0xf6: {  	v23 =	vmin.f32 v23, v25;
	v31 =	vmin.f32 v31, v25;
	v25 =	vperm.xlane v27, v11;
	v33 =	vld.idx.msk [tilespmem:v5+s25+$0xC000], $0xffff  }
0xf7: {  	v23 =	vmin.f32 v23, v24;
	v31 =	vadd.f32 v31, v40;
	v24 =	vmin.f32 v34, v27;
	v41 =	vld.idx.msk [tilespmem:v8+s23+$0xC000], $0xffff;
	s23 =	smov.u32 s25  }
0xf8: {  	v23 =	vadd.f32 v29, v23;
	v27 =	vmin.f32 v32, v27;
	v25 =	vsel vm1, $0x7F800000, v25;
	v43 =	vld.idx.msk [tilespmem:v9+s23+$0xC000], $0xffff  }
0xf9: {  	v32 =	vperm.xlane v31, v12;
	v27 =	vadd.f32 v26, v27;
	v25 =	vmin.f32 v25, v31;
	v29 =	vld.idx.msk [tilespmem:v10+s23+$0xC000], $0xffff  }
0xfa: {  	v26 =	vmin.f32 v31, v23;
	v31 =	vmin.f32 v23, v30;
	v25 =	vmin.f32 v25, v23;
	v44 =	vld.idx.msk [tilespmem:v2+s23+$0xBF80], $0xffff  }
0xfb: {  	v32 =	vsel vm0, $0x7F800000, v32;
	v23 =	vadd.f32 v25, v22;
	v22 =	vmin.f32 v26, v30;
	v48 =	vld.idx.msk [tilespmem:v3+s23+$0xBF80], $0xffff  }
0xfc: {  	v25 =	vadd.f32 v22, v19;
	v19 =	vmin.f32 v31, v28;
	v22 =	vmin.f32 v24, v32;
	v49 =	vld.idx.msk [tilespmem:v4+s23+$0xBF80], $0xffff  }
0xfd: {  	v24 =	vadd.f32 v20, v19;
	v19 =	vmin.f32 v30, v28;
	v30 =	vadd.f32 v22, v21;
	v36 =	vld.idx.msk [tilespmem:v5+s23+$0xBF80], $0xffff  }
0xfe: {  	v20 =	vmin.f32 v28, v39;
	v21 =	vmin.f32 v39, v47;
	v19 =	vmin.f32 v19, v39;
	v37 =	vld.idx.msk [tilespmem:v8+s23+$0xBF80], $0xffff  }
0xff: {  	v20 =	vmin.f32 v20, v47;
	v21 =	vmin.f32 v21, v34;
	v32 =	vmin.f32 v25, v24;
	v38 =	vld.idx.msk [tilespmem:v9+s23+$0xBF80], $0xffff  }
.Ltmp2:
0x100: {  	v26 =	vand.u32 $0x7FFFFFFF, v41;
	v31 =	vadd.f32 v17, v19;
	v28 =	vadd.f32 v18, v20;
	v40 =	vld.idx.msk [tilespmem:v1+s23+$0xBF80], $0xffff;
	(pc) =	sbr.rel @p0 .LBB2_6-.Ltmp2, $4  }
0x101: {  	v22 =	vand.u32 $0x7FFFFFFF, v45;
	v19 =	vand.u32 $0x7FFFFFFF, v46;
	v34 =	vadd.f32 v26, v21;
	v41 =	vld.idx.msk [tilespmem:v10+s23+$0xBF80], $0xffff  }
0x102: {  	v20 =	vand.u32 $0x7FFFFFFF, v42;
	v17 =	vand.u32 $0x7FFFFFFF, v35;
	v39 =	vmin.f32 v31, v28  }
0x103: {  	v18 =	vand.u32 $0x7FFFFFFF, v33;
	v26 =	vand.u32 $0x7FFFFFFF, v43;
	v21 =	vand.u32 $0x7FFFFFFF, v29  }
0x104: {  	s24 =	sadd.s32 $0x400, s24;
	v29 =	vand.u32 $0x7FFFFFFF, v44;
	v35 =	vand.u32 $0x7FFFFFFF, v48;
	v33 =	vand.u32 $0x7FFFFFFF, v49  }
0x105: {  	v36 =	vand.u32 $0x7FFFFFFF, v36;
	v37 =	vand.u32 $0x7FFFFFFF, v37;
	v42 =	vperm.xlane v23, v12  }
0x106: {  	v43 =	vperm.xlane v30, v11;
	v40 =	vand.u32 $0x7FFFFFFF, v40;
	v38 =	vand.u32 $0x7FFFFFFF, v38  }
0x107: {  	v39 =	vmin.f32 v39, v34;
	v44 =	vmin.f32 v24, v31;
	v47 =	vmin.f32 v28, v34  }
0x108: {  	v48 =	vmin.f32 v34, v27;
	v31 =	vmin.f32 v32, v31;
	v41 =	vand.u32 $0x7FFFFFFF, v41  }
0x109: {  	v36 =	vadd.f32 v36, v39;
	v39 =	vmin.f32 v47, v27;
	v27 =	vmin.f32 v27, v30  }
0x10a: {  	v30 =	vmin.f32 v48, v30;
	v31 =	vadd.f32 v35, v31;
	v42 =	vsel vm0, $0x7F800000, v42  }
0x10b: {  	v53 =	vld.idx.msk [tilespmem:v3+s18+$0x0], $0xffff;
	v28 =	vmin.f32 v44, v28;
	v49 =	vadd.f32 v37, v39;
	v27 =	vmin.f32 v27, v42  }
0x10c: {  	v43 =	vsel vm1, $0x7F800000, v43;
	v30 =	vadd.f32 v38, v30;
	v27 =	vadd.f32 v27, v41  }
0x10d: {  	v28 =	vadd.f32 v33, v28;
	v50 =	vmin.f32 v43, v23;
	v23 =	vmin.f32 v23, v25  }
0x10e: {  	v32 =	vmin.f32 v50, v25;
	v23 =	vmin.f32 v23, v24;
	v25 =	vperm.xlane v27, v11  }
0x10f: {  	v24 =	vmin.f32 v49, v30;
	v32 =	vadd.f32 v32, v40;
	v23 =	vadd.f32 v29, v23  }
0x110: {  	v55 =	vand.u32 $0x7FFFFFFF, v53;
	v24 =	vmin.f32 v24, v27;
	v25 =	vsel vm1, $0x7F800000, v25  }
0x111: {  	v51 =	vld.idx.msk [tilespmem:v8+s23+$0xC000], $0xffff;
	v27 =	vmin.f32 v30, v27;
	v29 =	vperm.xlane v32, v12;
	v25 =	vmin.f32 v25, v32  }
0x112: {  	v52 =	vld.idx.msk [tilespmem:v1+s18+$0x0], $0xffff;
	v24 =	vadd.f32 v26, v24;
	v32 =	vmin.f32 v32, v23;
	v25 =	vmin.f32 v25, v23  }
0x113: {  	v54 =	vld.idx.msk [tilespmem:v4+s18+$0x0], $0xffff;
	v23 =	vmin.f32 v23, v31;
	v22 =	vadd.f32 v25, v22;
	v25 =	vmin.f32 v32, v31  }
0x114: {  	v26 =	vld.idx.msk [tilespmem:v2+s18+$0x0], $0xffff;
	v29 =	vsel vm0, $0x7F800000, v29;
	v23 =	vmin.f32 v23, v28;
	v19 =	vadd.f32 v25, v19  }
0x115: {  	v25 =	vmin.f32 v27, v29;
	v20 =	vadd.f32 v20, v23;
	v23 =	vld.idx.msk [tilespmem:v5+s18+$0x0], $0xffff;
	v27 =	vmin.f32 v31, v28  }
0x116: {  	v29 =	vmin.f32 v36, v49;
	v31 =	vld.idx.msk [tilespmem:v9+s18+$0x0], $0xffff;
	v21 =	vadd.f32 v25, v21;
	v25 =	vmin.f32 v28, v36  }
0x117: {  	v28 =	vld.idx.msk [tilespmem:v8+s18+$0x0], $0xffff;
	v27 =	vmin.f32 v27, v36;
	v29 =	vmin.f32 v29, v30;
	v30 =	vand.u32 $0x7FFFFFFF, v51  }
0x118: {  	v56 =	vperm.xlane v22, v7;
	v25 =	vmin.f32 v25, v49;
	v17 =	vadd.f32 v17, v27;
	v27 =	vld.idx.msk [tilespmem:v10+s18+$0x0], $0xffff  }
0x119: {  	v18 =	vadd.f32 v18, v25;
	v25 =	vadd.f32 v30, v29;
	v30 =	vperm.xlane v21, v6  }
0x11a: {  	v32 =	vand.u32 $0x7FFFFFFF, v54;
	v26 =	vand.u32 $0x7FFFFFFF, v26;
	v29 =	vand.u32 $0x7FFFFFFF, v52  }
0x11b: {  	v34 =	vsel vm0, $0x7F800000, v56;
	v23 =	vand.u32 $0x7FFFFFFF, v23;
	v30 =	vsel vm1, $0x7F800000, v30  }
0x11c: {  	v31 =	vand.u32 $0x7FFFFFFF, v31;
	v28 =	vand.u32 $0x7FFFFFFF, v28;
	v30 =	vmin.f32 v30, v22  }
0x11d: {  	v22 =	vmin.f32 v22, v19;
	v27 =	vand.u32 $0x7FFFFFFF, v27;
	v30 =	vmin.f32 v30, v19  }
0x11e: {  	v22 =	vmin.f32 v22, v20;
	v19 =	vmin.f32 v19, v20;
	v20 =	vmin.f32 v20, v17  }
0x11f: {  	v29 =	vadd.f32 v30, v29;
	v22 =	vadd.f32 v26, v22;
	v19 =	vmin.f32 v19, v17  }
0x120: {  	v20 =	vmin.f32 v20, v18;
	v17 =	vmin.f32 v17, v18;
	v18 =	vmin.f32 v18, v25  }
0x121: {  	v19 =	vadd.f32 v55, v19;
	v20 =	vadd.f32 v32, v20;
	v17 =	vmin.f32 v17, v25  }
0x122: {  	v18 =	vmin.f32 v18, v24;
	v17 =	vadd.f32 v23, v17;
	v22 =	vmin.f32 v29, v22  }
0x123: {  	v18 =	vadd.f32 v28, v18;
	v23 =	vmin.f32 v25, v24;
	v19 =	vmin.f32 v22, v19  }
0x124: {  	v22 =	vmin.f32 v23, v21;
	v21 =	vmin.f32 v24, v21;
	v19 =	vmin.f32 v19, v20  }
0x125: {  	v20 =	vadd.f32 v31, v22;
	v21 =	vmin.f32 v21, v34;
	v17 =	vmin.f32 v19, v17  }
0x126: {  	v19 =	vadd.f32 v21, v27;
	v17 =	vmin.f32 v17, v18  }
0x127: {  	v17 =	vmin.f32 v17, v20  }
0x128: {  	v17 =	vmin.f32 v17, v19  }
0x129: {  	(xrf0) =	vmin.scan.msk.f32 $0xffff, v17;
	_ =	sdelay $0x5  }
0x12a: {  	v17, _, _ =	vpop (xrf0)  }
0x12b: {  	v17 =	vbroadcast v17, $0xF;
	_ =	sdelay $0x1  }
0x12c: {  	[tilespmem:v15+s14+$0x0] =	vst.idx.msk $0x1, v17  }
0x12d: {  	_ =	swait.ge [sflag:s19], $0x4000  }
0x12e: {  	[sflag:s19] =	ssyncset.done $0x0  }
0x12f: {  	[sflag:s19] =	ssyncadd.s32 $0xFFFFC000  }
0x130: {  	v17 =	vld.idx.msk [tilespmem:v1+s11+$0x0], $0xffff  }
0x131: {  	v18 =	vld.idx.msk [tilespmem:v2+s11+$0x0], $0xffff  }
0x132: {  	v19 =	vld.idx.msk [tilespmem:v3+s11+$0x0], $0xffff  }
0x133: {  	v20 =	vld.idx.msk [tilespmem:v4+s11+$0x0], $0xffff  }
0x134: {  	v21 =	vld.idx.msk [tilespmem:v5+s11+$0x0], $0xffff  }
0x135: {  	v22 =	vld.idx.msk [tilespmem:v8+s11+$0x0], $0xffff  }
0x136: {  	v26 =	vld.idx.msk [tilespmem:v9+s11+$0x0], $0xffff  }
0x137: {  	s23 =	simm.s32 $0xFFFFC100;
	v29 =	vld.idx.msk [tilespmem:v10+s11+$0x0], $0xffff  }
0x138: {  	v57 =	vld.idx.msk [tilespmem:v1+s23+$0x10000], $0xffff  }
0x139: {  	v58 =	vld.idx.msk [tilespmem:v2+s23+$0x10000], $0xffff  }
0x13a: {  	v59 =	vld.idx.msk [tilespmem:v3+s23+$0x10000], $0xffff  }
0x13b: {  	v60 =	vld.idx.msk [tilespmem:v4+s23+$0x10000], $0xffff  }
0x13c: {  	v61 =	vld.idx.msk [tilespmem:v5+s23+$0x10000], $0xffff  }
0x13d: {  	v62 =	vld.idx.msk [tilespmem:v9+s23+$0x10000], $0xffff  }
0x13e: {  	v63 =	vld.idx.msk [tilespmem:v10+s23+$0x10000], $0xffff  }
0x13f: {  	v45 =	vld.idx.msk [tilespmem:v2+s23+$0xFF80], $0xffff  }
0x140: {  	v46 =	vld.idx.msk [tilespmem:v3+s23+$0xFF80], $0xffff  }
0x141: {  	v47 =	vld.idx.msk [tilespmem:v4+s23+$0xFF80], $0xffff  }
0x142: {  	v36 =	vld.idx.msk [tilespmem:v5+s23+$0xFF80], $0xffff;
	v23 =	vand.u32 $0x7FFFFFFF, v17;
	v25 =	vand.u32 $0x7FFFFFFF, v18  }
0x143: {  	v37 =	vld.idx.msk [tilespmem:v8+s23+$0xFF80], $0xffff;
	v24 =	vand.u32 $0x7FFFFFFF, v19;
	v31 =	vand.u32 $0x7FFFFFFF, v20;
	v28 =	vand.u32 $0x7FFFFFFF, v21  }
0x144: {  	v38 =	vld.idx.msk [tilespmem:v9+s23+$0xFF80], $0xffff;
	v34 =	vand.u32 $0x7FFFFFFF, v22;
	v27 =	vand.u32 $0x7FFFFFFF, v26;
	v30 =	vand.u32 $0x7FFFFFFF, v29  }
0x145: {  	v40 =	vld.idx.msk [tilespmem:v1+s23+$0xFF80], $0xffff;
	v22 =	vand.u32 $0x7FFFFFFF, v57;
	v19 =	vand.u32 $0x7FFFFFFF, v58;
	v20 =	vand.u32 $0x7FFFFFFF, v59  }
0x146: {  	v17 =	vand.u32 $0x7FFFFFFF, v60;
	v18 =	vand.u32 $0x7FFFFFFF, v61;
	v26 =	vand.u32 $0x7FFFFFFF, v62  }
0x147: {  	v41 =	vld.idx.msk [tilespmem:v10+s23+$0xFF80], $0xffff;
	v21 =	vand.u32 $0x7FFFFFFF, v63;
	v29 =	vand.u32 $0x7FFFFFFF, v45;
	v35 =	vand.u32 $0x7FFFFFFF, v46  }
0x148: {  	s24 =	simm.s32 $0xFFFF0800;
	v33 =	vand.u32 $0x7FFFFFFF, v47;
	v32 =	vmin.f32 v25, v24;
	v39 =	vmin.f32 v31, v28  }
.LBB2_8:
0x149: {  	v36 =	vand.u32 $0x7FFFFFFF, v36;
	v37 =	vand.u32 $0x7FFFFFFF, v37  }
0x14a: {  	p0 =	sne.s32 s24, $0xFFFFFC00;
	v42 =	vperm.xlane v23, v12;
	v40 =	vand.u32 $0x7FFFFFFF, v40;
	v38 =	vand.u32 $0x7FFFFFFF, v38  }
0x14b: {  	v43 =	vperm.xlane v30, v11;
	vm0 =	veq.s32 v0, $0xF;
	vm1 =	veq.s32 v0, $0x0  }
0x14c: {  	v39 =	vmin.f32 v39, v34;
	v41 =	vand.u32 $0x7FFFFFFF, v41;
	v42 =	vsel vm0, $0x7F800000, v42  }
0x14d: {  	v44 =	vmin.f32 v24, v31;
	v39 =	vadd.f32 v36, v39;
	v43 =	vsel vm1, $0x7F800000, v43  }
0x14e: {  	s25 =	sshra.s32 s24, $0x2;
	v31 =	vmin.f32 v32, v31;
	v32 =	vmin.f32 v28, v34;
	v34 =	vmin.f32 v34, v27  }
0x14f: {  	v32 =	vmin.f32 v32, v27;
	v34 =	vmin.f32 v34, v30;
	v27 =	vmin.f32 v27, v30;
	v45 =	vld.idx.msk [tilespmem:v1+s25+$0x10000], $0xffff  }
0x150: {  	v47 =	vadd.f32 v37, v32;
	v34 =	vadd.f32 v38, v34;
	v27 =	vmin.f32 v27, v42;
	v46 =	vld.idx.msk [tilespmem:v2+s25+$0x10000], $0xffff  }
0x151: {  	v30 =	vadd.f32 v35, v31;
	v28 =	vmin.f32 v44, v28;
	v27 =	vadd.f32 v27, v41;
	v42 =	vld.idx.msk [tilespmem:v3+s25+$0x10000], $0xffff  }
0x152: {  	v28 =	vadd.f32 v33, v28;
	v31 =	vmin.f32 v43, v23;
	v32 =	vmin.f32 v47, v34;
	v35 =	vld.idx.msk [tilespmem:v4+s25+$0x10000], $0xffff  }
0x153: {  	v23 =	vmin.f32 v23, v25;
	v31 =	vmin.f32 v31, v25;
	v25 =	vperm.xlane v27, v11;
	v33 =	vld.idx.msk [tilespmem:v5+s25+$0x10000], $0xffff  }
0x154: {  	v23 =	vmin.f32 v23, v24;
	v31 =	vadd.f32 v31, v40;
	v24 =	vmin.f32 v34, v27;
	v41 =	vld.idx.msk [tilespmem:v8+s23+$0x10000], $0xffff;
	s23 =	smov.u32 s25  }
0x155: {  	v23 =	vadd.f32 v29, v23;
	v27 =	vmin.f32 v32, v27;
	v25 =	vsel vm1, $0x7F800000, v25;
	v43 =	vld.idx.msk [tilespmem:v9+s23+$0x10000], $0xffff  }
0x156: {  	v32 =	vperm.xlane v31, v12;
	v27 =	vadd.f32 v26, v27;
	v25 =	vmin.f32 v25, v31;
	v29 =	vld.idx.msk [tilespmem:v10+s23+$0x10000], $0xffff  }
0x157: {  	v26 =	vmin.f32 v31, v23;
	v31 =	vmin.f32 v23, v30;
	v25 =	vmin.f32 v25, v23;
	v44 =	vld.idx.msk [tilespmem:v2+s23+$0xFF80], $0xffff  }
0x158: {  	v32 =	vsel vm0, $0x7F800000, v32;
	v23 =	vadd.f32 v25, v22;
	v22 =	vmin.f32 v26, v30;
	v48 =	vld.idx.msk [tilespmem:v3+s23+$0xFF80], $0xffff  }
0x159: {  	v25 =	vadd.f32 v22, v19;
	v19 =	vmin.f32 v31, v28;
	v22 =	vmin.f32 v24, v32;
	v49 =	vld.idx.msk [tilespmem:v4+s23+$0xFF80], $0xffff  }
0x15a: {  	v24 =	vadd.f32 v20, v19;
	v19 =	vmin.f32 v30, v28;
	v30 =	vadd.f32 v22, v21;
	v36 =	vld.idx.msk [tilespmem:v5+s23+$0xFF80], $0xffff  }
0x15b: {  	v20 =	vmin.f32 v28, v39;
	v21 =	vmin.f32 v39, v47;
	v19 =	vmin.f32 v19, v39;
	v37 =	vld.idx.msk [tilespmem:v8+s23+$0xFF80], $0xffff  }
0x15c: {  	v20 =	vmin.f32 v20, v47;
	v21 =	vmin.f32 v21, v34;
	v32 =	vmin.f32 v25, v24;
	v38 =	vld.idx.msk [tilespmem:v9+s23+$0xFF80], $0xffff  }
.Ltmp3:
0x15d: {  	v26 =	vand.u32 $0x7FFFFFFF, v41;
	v31 =	vadd.f32 v17, v19;
	v28 =	vadd.f32 v18, v20;
	v40 =	vld.idx.msk [tilespmem:v1+s23+$0xFF80], $0xffff;
	(pc) =	sbr.rel @p0 .LBB2_8-.Ltmp3, $4  }
0x15e: {  	v22 =	vand.u32 $0x7FFFFFFF, v45;
	v19 =	vand.u32 $0x7FFFFFFF, v46;
	v34 =	vadd.f32 v26, v21;
	v41 =	vld.idx.msk [tilespmem:v10+s23+$0xFF80], $0xffff  }
0x15f: {  	v20 =	vand.u32 $0x7FFFFFFF, v42;
	v17 =	vand.u32 $0x7FFFFFFF, v35;
	v39 =	vmin.f32 v31, v28  }
0x160: {  	v18 =	vand.u32 $0x7FFFFFFF, v33;
	v26 =	vand.u32 $0x7FFFFFFF, v43;
	v21 =	vand.u32 $0x7FFFFFFF, v29  }
0x161: {  	s24 =	sadd.s32 $0x400, s24;
	v29 =	vand.u32 $0x7FFFFFFF, v44;
	v35 =	vand.u32 $0x7FFFFFFF, v48;
	v33 =	vand.u32 $0x7FFFFFFF, v49  }
0x162: {  	v36 =	vand.u32 $0x7FFFFFFF, v36;
	v37 =	vand.u32 $0x7FFFFFFF, v37;
	v42 =	vperm.xlane v23, v12  }
0x163: {  	v43 =	vperm.xlane v30, v11;
	v40 =	vand.u32 $0x7FFFFFFF, v40;
	v38 =	vand.u32 $0x7FFFFFFF, v38  }
0x164: {  	v39 =	vmin.f32 v39, v34;
	v44 =	vmin.f32 v24, v31;
	v56 =	vmin.f32 v28, v34  }
0x165: {  	v57 =	vmin.f32 v34, v27;
	v58 =	vmin.f32 v27, v30;
	v61 =	vmin.f32 v32, v31  }
0x166: {  	v41 =	vand.u32 $0x7FFFFFFF, v41;
	v36 =	vadd.f32 v36, v39;
	v39 =	vmin.f32 v56, v27  }
0x167: {  	v59 =	vmin.f32 v57, v30;
	v31 =	vadd.f32 v35, v61;
	v62 =	vmin.f32 v44, v28  }
0x168: {  	v42 =	vsel vm0, $0x7F800000, v42;
	v43 =	vsel vm1, $0x7F800000, v43;
	v60 =	vadd.f32 v37, v39  }
0x169: {  	v44 =	vld.idx.msk [tilespmem:v3+s20+$0x0], $0xffff;
	v30 =	vadd.f32 v38, v59;
	v37 =	vmin.f32 v23, v25;
	v28 =	vadd.f32 v33, v62  }
0x16a: {  	v27 =	vmin.f32 v58, v42;
	v63 =	vmin.f32 v43, v23;
	v23 =	vmin.f32 v37, v24;
	v42 =	vld.idx.msk [tilespmem:v1+s20+$0x0], $0xffff  }
0x16b: {  	v43 =	vld.idx.msk [tilespmem:v2+s20+$0x0], $0xffff;
	v27 =	vadd.f32 v27, v41;
	v32 =	vmin.f32 v63, v25;
	v39 =	vmin.f32 v60, v30  }
0x16c: {  	v23 =	vadd.f32 v29, v23;
	v49 =	vmin.f32 v31, v28;
	v50 =	vmin.f32 v28, v36  }
0x16d: {  	v46 =	vld.idx.msk [tilespmem:v4+s20+$0x0], $0xffff;
	v52 =	vmin.f32 v36, v60;
	v32 =	vadd.f32 v32, v40;
	v38 =	vperm.xlane v27, v11  }
0x16e: {  	v40 =	vld.idx.msk [tilespmem:v8+s23+$0x10000], $0xffff;
	v24 =	vmin.f32 v39, v27;
	v27 =	vmin.f32 v30, v27;
	v59 =	vand.u32 $0x7FFFFFFF, v44  }
0x16f: {  	v53 =	vld.idx.msk [tilespmem:v9+s20+$0x0], $0xffff;
	v41 =	vperm.xlane v32, v12;
	v24 =	vadd.f32 v26, v24;
	v25 =	vsel vm1, $0x7F800000, v38  }
0x170: {  	v57 =	vand.u32 $0x7FFFFFFF, v42;
	v26 =	vand.u32 $0x7FFFFFFF, v43;
	v25 =	vmin.f32 v25, v32  }
0x171: {  	v51 =	vld.idx.msk [tilespmem:v8+s20+$0x0], $0xffff;
	v32 =	vmin.f32 v32, v23;
	v29 =	vsel vm0, $0x7F800000, v41;
	v25 =	vmin.f32 v25, v23  }
0x172: {  	v55 =	vld.idx.msk [tilespmem:v10+s20+$0x0], $0xffff;
	v23 =	vmin.f32 v23, v31;
	v45 =	vmin.f32 v32, v31;
	v47 =	vmin.f32 v27, v29  }
0x173: {  	v48 =	vld.idx.msk [tilespmem:v5+s20+$0x0], $0xffff;
	v27 =	vmin.f32 v49, v36;
	v29 =	vmin.f32 v52, v30;
	v54 =	vand.u32 $0x7FFFFFFF, v40  }
0x174: {  	v32 =	vand.u32 $0x7FFFFFFF, v46;
	v31 =	vand.u32 $0x7FFFFFFF, v53;
	v22 =	vadd.f32 v25, v22  }
0x175: {  	v23 =	vmin.f32 v23, v28;
	v19 =	vadd.f32 v45, v19;
	v21 =	vadd.f32 v47, v21  }
0x176: {  	v25 =	vmin.f32 v50, v60;
	v17 =	vadd.f32 v17, v27;
	v56 =	vadd.f32 v54, v29  }
0x177: {  	v28 =	vand.u32 $0x7FFFFFFF, v51;
	v27 =	vand.u32 $0x7FFFFFFF, v55;
	v58 =	vperm.xlane v21, v6  }
0x178: {  	v20 =	vadd.f32 v20, v23;
	v18 =	vadd.f32 v18, v25;
	v23 =	vand.u32 $0x7FFFFFFF, v48  }
0x179: {  	v60 =	vperm.xlane v22, v7;
	v61 =	vmin.f32 v56, v24;
	v30 =	vsel vm1, $0x7F800000, v58  }
0x17a: {  	v62 =	vmin.f32 v61, v21;
	v30 =	vmin.f32 v30, v22;
	v22 =	vmin.f32 v22, v19  }
0x17b: {  	v21 =	vmin.f32 v24, v21;
	v30 =	vmin.f32 v30, v19;
	v22 =	vmin.f32 v22, v20  }
0x17c: {  	v19 =	vmin.f32 v19, v20;
	v20 =	vmin.f32 v20, v17;
	v29 =	vadd.f32 v30, v57  }
0x17d: {  	v22 =	vadd.f32 v26, v22;
	v19 =	vmin.f32 v19, v17;
	v20 =	vmin.f32 v20, v18  }
0x17e: {  	v17 =	vmin.f32 v17, v18;
	v18 =	vmin.f32 v18, v56;
	v19 =	vadd.f32 v59, v19  }
0x17f: {  	v20 =	vadd.f32 v32, v20;
	v17 =	vmin.f32 v17, v56;
	v22 =	vmin.f32 v29, v22  }
0x180: {  	v18 =	vmin.f32 v18, v24;
	v17 =	vadd.f32 v23, v17;
	v19 =	vmin.f32 v22, v19  }
0x181: {  	v34 =	vsel vm0, $0x7F800000, v60;
	v18 =	vadd.f32 v28, v18;
	v19 =	vmin.f32 v19, v20  }
0x182: {  	v63 =	vadd.f32 v31, v62;
	v21 =	vmin.f32 v21, v34;
	v17 =	vmin.f32 v19, v17  }
0x183: {  	v19 =	vadd.f32 v21, v27;
	v17 =	vmin.f32 v17, v18  }
0x184: {  	v17 =	vmin.f32 v17, v63  }
0x185: {  	v17 =	vmin.f32 v17, v19  }
0x186: {  	(xrf0) =	vmin.scan.msk.f32 $0xffff, v17;
	_ =	sdelay $0x5  }
0x187: {  	v17, _, _ =	vpop (xrf0)  }
0x188: {  	s22 =	sadd.s32 $0x1, s22;
	v17 =	vbroadcast v17, $0xF  }
0x189: {  	p0 =	sne.s32 s22, s8  }
.Ltmp4:
0x18a: {  	[tilespmem:v16+s14+$0x0] =	vst.idx.msk $0x1, v17;
	(pc) =	sbr.rel @p0 .LBB2_1-.Ltmp4, $4  }
0x18b: {  	[hbm4b:s7+s2] =	stream.linear.scatter [tilespmem:s14], [sflag:$0x5], $0x80, $0x38;
	[tilespmem:$0x10080] =	vst v63  }
0x18c: {  	_ =	swait.ge [sflag:s21], $0x80  }
0x18d: {  	[sflag:s21] =	ssyncset.done $0x0  }
0x18e: {  	[sflag:s21] =	ssyncadd.s32 $0xFFFFFF80  }
0x18f: {  	_ =	sfence.sel $0x180000  }
0x190: {  	[bflag:$0x0] =	sbarrier.arrive $0xFFFF  }
0x191: {  	p0 =	sne.s32 s1, $0x0;
	_ =	strace $0x90000047  }
0x192: {  	s0 =	sadd.s32 @!p0 $0x100000, s0;
	[bflag:$0x2] =	sbarrier.arrive $0xFFFF  }
0x193: {  	[sflag:s0] =	ssyncadd.tile.s32 @!p0 $0x1;
	_ =	shalt  }
.Lfunc_end2:
_tile_overlayer_lowered:
.L_overlay_start_2:
0x194: {  	(tag) =	ssettag $0x2  }
0x195: {  	s0 =	rddreg [dreg:$0x0];
	s2 =	stileid.u32  }
0x196: {  	s1 =	rddreg [dreg:$0x1];
	p0 =	sne.s32 s2, $0x0  }
0x197: {  	s3 =	rddreg [dreg:$0x2];
	[bflag:$0x3] =	sbarrier.arrive $0xFFFF;
	s2 =	simm.s32 @!p0 $0x1C05  }
0x198: {  	[timem:s3], [sflag:s2] =	dma.local @!p0 [hbm:s0], s1  }
0x199: {  	s0 =	simm.s32 @!p0 $0x5  }
0x19a: {  	_ =	swait.ge @!p0 [sflag:s0], s1  }
0x19b: {  	s1 =	ssub.s32 @!p0 $0x0, s1;
	[sflag:s0] =	ssyncset.done @!p0 $0x0  }
0x19c: {  	[sflag:s0] =	ssyncadd.s32 @!p0 s1  }
0x19d: {  	[bflag:$0x3] =	sbarrier.arrive $0xFFFF  }
0x19e: {  	_ =	shalt  }

</sc_bundles>
